<compile_context>
chip_gen: v7x
topology: tpu7x:2x2x1
jax: 0.10.2.dev20260603
libtpu: 0.0.44.dev20260713+nightly
codegen_flags: <defaults>
</compile_context>

<pallas_src>
import functools

import jax
import jax.numpy as jnp
from jax import lax
from jax.experimental import pallas as pl
from jax.experimental.pallas import tpu as pltpu
from jax.experimental.pallas import tpu_sc as plsc

D_MODEL = 64
SCALE = 8.0

NC, NS, L = 2, 16, 16
NW = NC * NS
BB = 128
FH = D_MODEL // 8
OPITCH = BB + 1
TCHUNK = 16384
NBUF = 4


def _transpose_tc(table_t, nblk):
    d, v = table_t.shape
    h = TCHUNK // 2

    def body(inb, outb):
        t = inb[...].T
        outb[:, 0:D_MODEL] = t[0:h]
        outb[:, D_MODEL:128] = t[h:TCHUNK]

    return pl.pallas_call(
        body,
        grid=(nblk,),
        in_specs=[pl.BlockSpec((d, TCHUNK), lambda i: (0, i))],
        out_specs=pl.BlockSpec((h, 128), lambda i: (i, 0)),
        out_shape=jax.ShapeDtypeStruct((nblk * h, 128), jnp.float32),
        compiler_params=pltpu.CompilerParams(
            dimension_semantics=("parallel",)
        ),
    )(table_t)


def _make_gather_sc(T, NB, VPAD):
    mesh = plsc.VectorSubcoreMesh(core_axis_name="c", subcore_axis_name="s")

    @functools.partial(
        pl.kernel,
        out_type=jax.ShapeDtypeStruct((T, FH, NB, 8, BB), jnp.float32),
        mesh=mesh,
        compiler_params=pltpu.CompilerParams(
            use_tc_tiling_on_sc=False, needs_layout_passes=False
        ),
        scratch_types=(
            [pltpu.VMEM((T, BB), jnp.int32)]
            + [pltpu.VMEM((BB, D_MODEL), jnp.float32)] * NBUF
            + [pltpu.VMEM((D_MODEL, OPITCH), jnp.float32)] * NBUF
            + [pltpu.SemaphoreType.DMA] * (2 * NBUF)
        ),
    )
    def emb(xi_hbm, tab_hbm, out_hbm, idx_v, *bufs):
        gbufs = bufs[0:NBUF]
        obufs = bufs[NBUF : 2 * NBUF]
        gsems = bufs[2 * NBUF : 3 * NBUF]
        osems = bufs[3 * NBUF : 4 * NBUF]
        w = lax.axis_index("s") * NC + lax.axis_index("c")
        pltpu.sync_copy(xi_hbm.at[:, w], idx_v)

        jrows = [lax.iota(jnp.int32, L) + j * L for j in range(D_MODEL // L)]

        def issue(t, buf, sem):
            pltpu.async_copy(tab_hbm.at[idx_v.at[t]], buf, sem)

        def drain_g(buf, sem):
            pltpu.make_async_copy(tab_hbm.at[pl.ds(0, BB)], buf, sem).wait()

        def drain_o(buf, sem):
            @pl.loop(0, FH)
            def _(fh):
                pltpu.make_async_copy(
                    buf.at[pl.ds(0, 8), pl.ds(0, BB)], out_hbm.at[0, 0, 0], sem
                ).wait()

        for p in range(NBUF - 1):
            issue(p, gbufs[p], gsems[p])

        @pl.loop(0, T, step=NBUF)
        def _units(t0):
            for b in range(NBUF):
                t = t0 + b
                gb, ob = gbufs[b], obufs[b]

                nb = (b + NBUF - 1) % NBUF

                @pl.when(t + NBUF - 1 < T)
                def _():
                    issue(t + NBUF - 1, gbufs[nb], gsems[nb])

                drain_g(gb, gsems[b])

                @pl.when(t >= NBUF)
                def _():
                    drain_o(ob, osems[b])

                @plsc.parallel_loop(0, BB, unroll=4)
                def _tok(bc):
                    row = gb.at[bc]
                    cols = jnp.zeros((L,), jnp.int32) + bc
                    for j in range(D_MODEL // L):
                        vals = row[pl.ds(j * L, L)] * SCALE
                        plsc.store_scatter(ob, [jrows[j], cols], vals)

                @pl.loop(0, FH, unroll=2)
                def _ship(fh):
                    pltpu.async_copy(
                        ob.at[pl.ds(fh * 8, 8), pl.ds(0, BB)],
                        out_hbm.at[t, fh, w],
                        osems[b],
                    )

        for p in range(NBUF):
            drain_o(obufs[p], osems[p])

    return emb


def kernel(x, table):
    BT, T = x.shape
    V, D = table.shape
    NB = BT // BB
    nblk = (V + TCHUNK - 1) // TCHUNK
    vpad = nblk * TCHUNK

    tab_lin = _transpose_tc(table.T, nblk).reshape(vpad, D)

    half_shift = TCHUNK.bit_length() - 2
    xw = x.astype(jnp.int32)
    u = jnp.bitwise_and(xw, TCHUNK - 1)
    s = jnp.bitwise_and(jnp.right_shift(xw, half_shift), 1)
    xj = xw + u - (TCHUNK - 1) * s
    xi = xj.T.reshape(T, NB, BB)

    out6 = _make_gather_sc(T, NB, vpad)(xi, tab_lin)
    return out6.transpose(2, 4, 0, 1, 3).reshape(BT, T, D)

# --- scband reference (transcript-rebuilt; emitter-appended) ---
"""Pipeline reference for scband-embeddings-84250078478925 (READ-ONLY COPY).

The authoritative reference and input builder live on the scoring server;
editing this copy changes nothing except your own understanding.
"""

import math
import jax, jax.numpy as jnp
import numpy as np

D_MODEL = 64
VOCAB = 1000000

def setup_inputs(seed: int = 0) -> dict:
    key = jax.random.key(seed)
    k1, k2 = jax.random.split(key)
    x = jax.random.randint(k1, (4096, 200), 0, VOCAB, dtype=jnp.int64 if jax.config.jax_enable_x64 else jnp.int32)
    table = jax.random.normal(k2, (VOCAB, D_MODEL), dtype=jnp.float32) * (D_MODEL ** -0.5)
    return {"x": x, "table": table}

def reference(x, table):
    # Embedding lookup (gather) followed by scale by sqrt(d_model)
    emb = jnp.take(table, x, axis=0)
    return emb * math.sqrt(D_MODEL)

if __name__ == "__main__":
    import jax
    _d = setup_inputs()
    print(jax.jit(kernel)(*tuple(_d.values())))

</pallas_src>

<mosaic_0001>
#map = affine_map<(d0, d1) -> (0, 0, 0)>
#map1 = affine_map<(d0, d1) -> (0, 0)>
#map2 = affine_map<(d0, d1) -> (0, 0, 0, 0, 0)>
module attributes {stable_mosaic.version = 14 : i64} {
  func.func @emb(%arg0: i32, %arg1: i32, %arg2: memref<200x32x128xi32, #tpu.memory_space<hbm>>, %arg3: memref<1015808x64xf32, #tpu.memory_space<hbm>>, %arg4: memref<200x8x32x8x128xf32, #tpu.memory_space<hbm>>, %arg5: memref<200x128xi32, #tpu.memory_space<vmem>>, %arg6: memref<128x64xf32, #tpu.memory_space<vmem>>, %arg7: memref<128x64xf32, #tpu.memory_space<vmem>>, %arg8: memref<128x64xf32, #tpu.memory_space<vmem>>, %arg9: memref<128x64xf32, #tpu.memory_space<vmem>>, %arg10: memref<64x129xf32, #tpu.memory_space<vmem>>, %arg11: memref<64x129xf32, #tpu.memory_space<vmem>>, %arg12: memref<64x129xf32, #tpu.memory_space<vmem>>, %arg13: memref<64x129xf32, #tpu.memory_space<vmem>>, %arg14: memref<!tpu.dma_semaphore, #tpu.memory_space<semaphore_mem>>, %arg15: memref<!tpu.dma_semaphore, #tpu.memory_space<semaphore_mem>>, %arg16: memref<!tpu.dma_semaphore, #tpu.memory_space<semaphore_mem>>, %arg17: memref<!tpu.dma_semaphore, #tpu.memory_space<semaphore_mem>>, %arg18: memref<!tpu.dma_semaphore, #tpu.memory_space<semaphore_mem>>, %arg19: memref<!tpu.dma_semaphore, #tpu.memory_space<semaphore_mem>>, %arg20: memref<!tpu.dma_semaphore, #tpu.memory_space<semaphore_mem>>, %arg21: memref<!tpu.dma_semaphore, #tpu.memory_space<semaphore_mem>>) attributes {dimension_semantics = [#tpu.dimension_semantics<core_parallel>, #tpu.dimension_semantics<subcore_parallel>], iteration_bounds = array<i64: 2, 16>, scalar_prefetch = 0 : i64, scratch_operands = 17 : i64, tpu.core_type = #tpu.core_type<sc_vector_subcore>, window_params = [{transform_indices = #map}, {transform_indices = #map1}, {transform_indices = #map2}]} {
    %mul3A = arith.constant 2 : i32
    %mul3A_0 = arith.muli %arg1, %mul3A : i32
    %add3A = arith.addi %mul3A_0, %arg0 : i32
    "tpu.region"() ({
      %run_scoped3A = tpu.sem_alloc : memref<!tpu.dma_semaphore, #tpu.memory_space<semaphore_mem>>
      %dma_start3A_60 = arith.constant 0 : i32
      %dma_start3A_61 = arith.constant 0 : i32
      %dma_start3A_62 = tpu.memref_slice %arg2[%dma_start3A_60, %add3A, %dma_start3A_61] : memref<200x32x128xi32, #tpu.memory_space<hbm>> -> memref<200x1x128xi32, #tpu.memory_space<hbm>>
      %dma_start3A_63 = tpu.memref_squeeze %dma_start3A_62 : memref<200x1x128xi32, #tpu.memory_space<hbm>> -> memref<200x128xi32, #tpu.memory_space<hbm>>
      %dma_start3A_64 = arith.constant 0 : i32
      %dma_start3A_65 = arith.constant 0 : i32
      %dma_start3A_66 = tpu.memref_slice %arg2[%dma_start3A_64, %add3A, %dma_start3A_65] : memref<200x32x128xi32, #tpu.memory_space<hbm>> -> memref<200x1x128xi32, #tpu.memory_space<hbm>>
      %dma_start3A_67 = tpu.memref_squeeze %dma_start3A_66 : memref<200x1x128xi32, #tpu.memory_space<hbm>> -> memref<200x128xi32, #tpu.memory_space<hbm>>
      tpu.enqueue_dma source(%dma_start3A_67 : memref<200x128xi32, #tpu.memory_space<hbm>>) target(%arg5 : memref<200x128xi32, #tpu.memory_space<vmem>>) target_semaphore(%run_scoped3A : memref<!tpu.dma_semaphore, #tpu.memory_space<semaphore_mem>>)
      %dma_wait3A = arith.constant 0 : i32
      %dma_wait3A_68 = arith.constant 0 : i32
      %dma_wait3A_69 = tpu.memref_slice %arg2[%dma_wait3A, %add3A, %dma_wait3A_68] : memref<200x32x128xi32, #tpu.memory_space<hbm>> -> memref<200x1x128xi32, #tpu.memory_space<hbm>>
      %dma_wait3A_70 = tpu.memref_squeeze %dma_wait3A_69 : memref<200x1x128xi32, #tpu.memory_space<hbm>> -> memref<200x128xi32, #tpu.memory_space<hbm>>
      %dma_wait3A_71 = arith.constant 0 : i32
      %dma_wait3A_72 = arith.constant 0 : i32
      %dma_wait3A_73 = tpu.memref_slice %arg2[%dma_wait3A_71, %add3A, %dma_wait3A_72] : memref<200x32x128xi32, #tpu.memory_space<hbm>> -> memref<200x1x128xi32, #tpu.memory_space<hbm>>
      %dma_wait3A_74 = tpu.memref_squeeze %dma_wait3A_73 : memref<200x1x128xi32, #tpu.memory_space<hbm>> -> memref<200x128xi32, #tpu.memory_space<hbm>>
      tpu.wait_dma2 semaphore(%run_scoped3A : memref<!tpu.dma_semaphore, #tpu.memory_space<semaphore_mem>>) src(%dma_wait3A_74 : memref<200x128xi32, #tpu.memory_space<hbm>>) dst(%arg5 : memref<200x128xi32, #tpu.memory_space<vmem>>)
      tpu.yield
    }) : () -> ()
    %iota3A = tpu.iota {dimensions = array<i32: 0>} : vector<16xi32>
    %add3A_1 = arith.constant 0 : i32
    %add3A_2 = vector.broadcast %add3A_1 : i32 to vector<16xi32>
    %add3A_3 = arith.addi %iota3A, %add3A_2 : vector<16xi32>
    %iota3A_4 = tpu.iota {dimensions = array<i32: 0>} : vector<16xi32>
    %add3A_5 = arith.constant 16 : i32
    %add3A_6 = vector.broadcast %add3A_5 : i32 to vector<16xi32>
    %add3A_7 = arith.addi %iota3A_4, %add3A_6 : vector<16xi32>
    %iota3A_8 = tpu.iota {dimensions = array<i32: 0>} : vector<16xi32>
    %add3A_9 = arith.constant 32 : i32
    %add3A_10 = vector.broadcast %add3A_9 : i32 to vector<16xi32>
    %add3A_11 = arith.addi %iota3A_8, %add3A_10 : vector<16xi32>
    %iota3A_12 = tpu.iota {dimensions = array<i32: 0>} : vector<16xi32>
    %add3A_13 = arith.constant 48 : i32
    %add3A_14 = vector.broadcast %add3A_13 : i32 to vector<16xi32>
    %add3A_15 = arith.addi %iota3A_12, %add3A_14 : vector<16xi32>
    %dma_start3A = arith.constant 0 : i32
    %dma_start3A_16 = arith.constant 0 : i32
    %dma_start3A_17 = tpu.memref_slice %arg5[%dma_start3A, %dma_start3A_16] : memref<200x128xi32, #tpu.memory_space<vmem>> -> memref<1x128xi32, #tpu.memory_space<vmem>>
    %dma_start3A_18 = tpu.memref_squeeze %dma_start3A_17 : memref<1x128xi32, #tpu.memory_space<vmem>> -> memref<128xi32, #tpu.memory_space<vmem>>
    %dma_start3A_19 = arith.constant 0 : i32
    %dma_start3A_20 = arith.constant 0 : i32
    %dma_start3A_21 = tpu.memref_slice %arg3[%dma_start3A_19, %dma_start3A_20] : memref<1015808x64xf32, #tpu.memory_space<hbm>> -> memref<1015808x64xf32, #tpu.memory_space<hbm>>
    tpu.enqueue_indirect_dma source(%dma_start3A_21 : memref<1015808x64xf32, #tpu.memory_space<hbm>>) target(%arg6 : memref<128x64xf32, #tpu.memory_space<vmem>>) offsets(%dma_start3A_18 : memref<128xi32, #tpu.memory_space<vmem>>) semaphore(%arg14 : memref<!tpu.dma_semaphore, #tpu.memory_space<semaphore_mem>>)
    %dma_start3A_22 = arith.constant 1 : i32
    %dma_start3A_23 = arith.constant 0 : i32
    %dma_start3A_24 = tpu.memref_slice %arg5[%dma_start3A_22, %dma_start3A_23] : memref<200x128xi32, #tpu.memory_space<vmem>> -> memref<1x128xi32, #tpu.memory_space<vmem>>
    %dma_start3A_25 = tpu.memref_squeeze %dma_start3A_24 : memref<1x128xi32, #tpu.memory_space<vmem>> -> memref<128xi32, #tpu.memory_space<vmem>>
    %dma_start3A_26 = arith.constant 0 : i32
    %dma_start3A_27 = arith.constant 0 : i32
    %dma_start3A_28 = tpu.memref_slice %arg3[%dma_start3A_26, %dma_start3A_27] : memref<1015808x64xf32, #tpu.memory_space<hbm>> -> memref<1015808x64xf32, #tpu.memory_space<hbm>>
    tpu.enqueue_indirect_dma source(%dma_start3A_28 : memref<1015808x64xf32, #tpu.memory_space<hbm>>) target(%arg7 : memref<128x64xf32, #tpu.memory_space<vmem>>) offsets(%dma_start3A_25 : memref<128xi32, #tpu.memory_space<vmem>>) semaphore(%arg15 : memref<!tpu.dma_semaphore, #tpu.memory_space<semaphore_mem>>)
    %dma_start3A_29 = arith.constant 2 : i32
    %dma_start3A_30 = arith.constant 0 : i32
    %dma_start3A_31 = tpu.memref_slice %arg5[%dma_start3A_29, %dma_start3A_30] : memref<200x128xi32, #tpu.memory_space<vmem>> -> memref<1x128xi32, #tpu.memory_space<vmem>>
    %dma_start3A_32 = tpu.memref_squeeze %dma_start3A_31 : memref<1x128xi32, #tpu.memory_space<vmem>> -> memref<128xi32, #tpu.memory_space<vmem>>
    %dma_start3A_33 = arith.constant 0 : i32
    %dma_start3A_34 = arith.constant 0 : i32
    %dma_start3A_35 = tpu.memref_slice %arg3[%dma_start3A_33, %dma_start3A_34] : memref<1015808x64xf32, #tpu.memory_space<hbm>> -> memref<1015808x64xf32, #tpu.memory_space<hbm>>
    tpu.enqueue_indirect_dma source(%dma_start3A_35 : memref<1015808x64xf32, #tpu.memory_space<hbm>>) target(%arg8 : memref<128x64xf32, #tpu.memory_space<vmem>>) offsets(%dma_start3A_32 : memref<128xi32, #tpu.memory_space<vmem>>) semaphore(%arg16 : memref<!tpu.dma_semaphore, #tpu.memory_space<semaphore_mem>>)
    %scan3A = arith.constant 0 : i32
    %scan3A_36 = arith.constant 50 : i32
    %scan3A_37 = arith.addi %scan3A, %scan3A_36 : i32
    %scan3A_38 = arith.constant 1 : i32
    scf.for %scan3A_60 = %scan3A to %scan3A_37 step %scan3A_38  : i32 {
      %mul3A_61 = arith.constant 4 : i32
      %mul3A_62 = arith.muli %scan3A_60, %mul3A_61 : i32
      %add3A_63 = arith.constant 0 : i32
      %add3A_64 = arith.addi %add3A_63, %mul3A_62 : i32
      %add3A_65 = arith.constant 0 : i32
      %add3A_66 = arith.addi %add3A_64, %add3A_65 : i32
      %add3A_67 = arith.constant 4 : i32
      %add3A_68 = arith.addi %add3A_66, %add3A_67 : i32
      %sub3A = arith.constant 1 : i32
      %sub3A_69 = arith.subi %add3A_68, %sub3A : i32
      %lt3A = arith.constant 200 : i32
      %lt3A_70 = arith.cmpi slt, %sub3A_69, %lt3A : i32
      %convert_element_type3A = arith.extui %lt3A_70 : i1 to i32
      %cond3A = arith.constant 0 : i32
      %cond3A_71 = arith.cmpi ne, %convert_element_type3A, %cond3A : i32
      scf.if %cond3A_71 {
        %add3A_178 = arith.constant 4 : i32
        %add3A_179 = arith.addi %add3A_66, %add3A_178 : i32
        %sub3A_180 = arith.constant 1 : i32
        %sub3A_181 = arith.subi %add3A_179, %sub3A_180 : i32
        %dma_start3A_182 = arith.constant 0 : i32
        %dma_start3A_183 = tpu.memref_slice %arg5[%sub3A_181, %dma_start3A_182] : memref<200x128xi32, #tpu.memory_space<vmem>> -> memref<1x128xi32, #tpu.memory_space<vmem>>
        %dma_start3A_184 = tpu.memref_squeeze %dma_start3A_183 : memref<1x128xi32, #tpu.memory_space<vmem>> -> memref<128xi32, #tpu.memory_space<vmem>>
        %dma_start3A_185 = arith.constant 0 : i32
        %dma_start3A_186 = arith.constant 0 : i32
        %dma_start3A_187 = tpu.memref_slice %arg3[%dma_start3A_185, %dma_start3A_186] : memref<1015808x64xf32, #tpu.memory_space<hbm>> -> memref<1015808x64xf32, #tpu.memory_space<hbm>>
        tpu.enqueue_indirect_dma source(%dma_start3A_187 : memref<1015808x64xf32, #tpu.memory_space<hbm>>) target(%arg9 : memref<128x64xf32, #tpu.memory_space<vmem>>) offsets(%dma_start3A_184 : memref<128xi32, #tpu.memory_space<vmem>>) semaphore(%arg17 : memref<!tpu.dma_semaphore, #tpu.memory_space<semaphore_mem>>)
      } else {
      }
      %dma_wait3A = arith.constant 0 : i32
      %dma_wait3A_72 = arith.constant 0 : i32
      %dma_wait3A_73 = tpu.memref_slice %arg3[%dma_wait3A, %dma_wait3A_72] : memref<1015808x64xf32, #tpu.memory_space<hbm>> -> memref<128x64xf32, #tpu.memory_space<hbm>>
      %dma_wait3A_74 = arith.constant 0 : i32
      %dma_wait3A_75 = arith.constant 0 : i32
      %dma_wait3A_76 = tpu.memref_slice %arg3[%dma_wait3A_74, %dma_wait3A_75] : memref<1015808x64xf32, #tpu.memory_space<hbm>> -> memref<128x64xf32, #tpu.memory_space<hbm>>
      tpu.wait_dma2 semaphore(%arg14 : memref<!tpu.dma_semaphore, #tpu.memory_space<semaphore_mem>>) src(%dma_wait3A_76 : memref<128x64xf32, #tpu.memory_space<hbm>>) dst(%arg6 : memref<128x64xf32, #tpu.memory_space<vmem>>)
      %ge3A = arith.constant 4 : i32
      %ge3A_77 = arith.cmpi sge, %add3A_66, %ge3A : i32
      %convert_element_type3A_78 = arith.extui %ge3A_77 : i1 to i32
      %cond3A_79 = arith.constant 0 : i32
      %cond3A_80 = arith.cmpi ne, %convert_element_type3A_78, %cond3A_79 : i32
      scf.if %cond3A_80 {
        %scan3A_178 = arith.constant 0 : i32
        %scan3A_179 = arith.constant 8 : i32
        %scan3A_180 = arith.addi %scan3A_178, %scan3A_179 : i32
        %scan3A_181 = arith.constant 1 : i32
        scf.for %scan3A_183 = %scan3A_178 to %scan3A_180 step %scan3A_181  : i32 {
          %mul3A_184 = arith.constant 1 : i32
          %mul3A_185 = arith.muli %scan3A_183, %mul3A_184 : i32
          %add3A_186 = arith.constant 0 : i32
          %add3A_187 = arith.addi %add3A_186, %mul3A_185 : i32
          %dma_wait3A_188 = arith.constant 0 : i32
          %dma_wait3A_189 = arith.constant 0 : i32
          %dma_wait3A_190 = arith.constant 0 : i32
          %dma_wait3A_191 = arith.constant 0 : i32
          %dma_wait3A_192 = arith.constant 0 : i32
          %dma_wait3A_193 = tpu.memref_slice %arg10[%dma_wait3A_191, %dma_wait3A_192] : memref<64x129xf32, #tpu.memory_space<vmem>> -> memref<8x128xf32, #tpu.memory_space<vmem>>
          %dma_wait3A_194 = arith.constant 0 : i32
          %dma_wait3A_195 = arith.constant 0 : i32
          %dma_wait3A_196 = tpu.memref_slice %arg4[%dma_wait3A_188, %dma_wait3A_189, %dma_wait3A_190, %dma_wait3A_194, %dma_wait3A_195] : memref<200x8x32x8x128xf32, #tpu.memory_space<hbm>> -> memref<1x1x1x8x128xf32, #tpu.memory_space<hbm>>
          %dma_wait3A_197 = tpu.memref_squeeze %dma_wait3A_196 : memref<1x1x1x8x128xf32, #tpu.memory_space<hbm>> -> memref<8x128xf32, #tpu.memory_space<hbm>>
          %dma_wait3A_198 = arith.constant 0 : i32
          %dma_wait3A_199 = arith.constant 0 : i32
          %dma_wait3A_200 = tpu.memref_slice %arg4[%dma_wait3A_188, %dma_wait3A_189, %dma_wait3A_190, %dma_wait3A_198, %dma_wait3A_199] : memref<200x8x32x8x128xf32, #tpu.memory_space<hbm>> -> memref<1x1x1x8x128xf32, #tpu.memory_space<hbm>>
          %dma_wait3A_201 = tpu.memref_squeeze %dma_wait3A_200 : memref<1x1x1x8x128xf32, #tpu.memory_space<hbm>> -> memref<8x128xf32, #tpu.memory_space<hbm>>
          %dma_wait3A_202 = arith.constant 0 : i32
          %dma_wait3A_203 = arith.constant 0 : i32
          %dma_wait3A_204 = tpu.memref_slice %arg10[%dma_wait3A_202, %dma_wait3A_203] : memref<64x129xf32, #tpu.memory_space<vmem>> -> memref<8x128xf32, #tpu.memory_space<vmem>>
          tpu.wait_dma2 semaphore(%arg18 : memref<!tpu.dma_semaphore, #tpu.memory_space<semaphore_mem>>) src(%dma_wait3A_204 : memref<8x128xf32, #tpu.memory_space<vmem>>) dst(%dma_wait3A_201 : memref<8x128xf32, #tpu.memory_space<hbm>>)
        }
        %scan3A_182 = arith.constant 8 : i32
      } else {
      }
      %parallel_loop3A = arith.constant 0 : i32
      %parallel_loop3A_81 = arith.constant 128 : i32
      %parallel_loop3A_82 = arith.constant 1 : i32
      scf.for %parallel_loop3A_178 = %parallel_loop3A to %parallel_loop3A_81 step %parallel_loop3A_82  : i32 {
        %parallel_loop3A_179 = arith.constant 0 : i32
        %parallel_loop3A_180 = vector.broadcast %parallel_loop3A_179 : i32 to vector<16xi32>
        %parallel_loop3A_181 = vector.broadcast %parallel_loop3A_178 : i32 to vector<16xi32>
        %parallel_loop3A_182 = arith.addi %parallel_loop3A_180, %parallel_loop3A_181 : vector<16xi32>
        %parallel_loop3A_183 = arith.constant 0 : i32
        %parallel_loop3A_184 = tpu.memref_slice %arg6[%parallel_loop3A_178, %parallel_loop3A_183] : memref<128x64xf32, #tpu.memory_space<vmem>> -> memref<1x64xf32, #tpu.memory_space<vmem>>
        %parallel_loop3A_185 = tpu.memref_squeeze %parallel_loop3A_184 : memref<1x64xf32, #tpu.memory_space<vmem>> -> memref<64xf32, #tpu.memory_space<vmem>>
        %parallel_loop3A_186 = arith.constant 0 : index
        %parallel_loop3A_187 = tpu.vector_load %parallel_loop3A_185[%parallel_loop3A_186] {strides = array<i32>} : memref<64xf32, #tpu.memory_space<vmem>>, vector<16xf32>,
        %parallel_loop3A_188 = arith.constant 8.000000e+00 : f32
        %parallel_loop3A_189 = vector.broadcast %parallel_loop3A_188 : f32 to vector<16xf32>
        %parallel_loop3A_190 = arith.mulf %parallel_loop3A_187, %parallel_loop3A_189 : vector<16xf32>
        tpu.vector_store_idx %arg10[%add3A_3, %parallel_loop3A_182], %parallel_loop3A_190 : memref<64x129xf32, #tpu.memory_space<vmem>>[vector<16xi32>, vector<16xi32>], vector<16xf32>,
        %parallel_loop3A_191 = arith.constant 0 : i32
        %parallel_loop3A_192 = tpu.memref_slice %arg6[%parallel_loop3A_178, %parallel_loop3A_191] : memref<128x64xf32, #tpu.memory_space<vmem>> -> memref<1x64xf32, #tpu.memory_space<vmem>>
        %parallel_loop3A_193 = tpu.memref_squeeze %parallel_loop3A_192 : memref<1x64xf32, #tpu.memory_space<vmem>> -> memref<64xf32, #tpu.memory_space<vmem>>
        %parallel_loop3A_194 = arith.constant 16 : index
        %parallel_loop3A_195 = tpu.vector_load %parallel_loop3A_193[%parallel_loop3A_194] {strides = array<i32>} : memref<64xf32, #tpu.memory_space<vmem>>, vector<16xf32>,
        %parallel_loop3A_196 = arith.constant 8.000000e+00 : f32
        %parallel_loop3A_197 = vector.broadcast %parallel_loop3A_196 : f32 to vector<16xf32>
        %parallel_loop3A_198 = arith.mulf %parallel_loop3A_195, %parallel_loop3A_197 : vector<16xf32>
        tpu.vector_store_idx %arg10[%add3A_7, %parallel_loop3A_182], %parallel_loop3A_198 : memref<64x129xf32, #tpu.memory_space<vmem>>[vector<16xi32>, vector<16xi32>], vector<16xf32>,
        %parallel_loop3A_199 = arith.constant 0 : i32
        %parallel_loop3A_200 = tpu.memref_slice %arg6[%parallel_loop3A_178, %parallel_loop3A_199] : memref<128x64xf32, #tpu.memory_space<vmem>> -> memref<1x64xf32, #tpu.memory_space<vmem>>
        %parallel_loop3A_201 = tpu.memref_squeeze %parallel_loop3A_200 : memref<1x64xf32, #tpu.memory_space<vmem>> -> memref<64xf32, #tpu.memory_space<vmem>>
        %parallel_loop3A_202 = arith.constant 32 : index
        %parallel_loop3A_203 = tpu.vector_load %parallel_loop3A_201[%parallel_loop3A_202] {strides = array<i32>} : memref<64xf32, #tpu.memory_space<vmem>>, vector<16xf32>,
        %parallel_loop3A_204 = arith.constant 8.000000e+00 : f32
        %parallel_loop3A_205 = vector.broadcast %parallel_loop3A_204 : f32 to vector<16xf32>
        %parallel_loop3A_206 = arith.mulf %parallel_loop3A_203, %parallel_loop3A_205 : vector<16xf32>
        tpu.vector_store_idx %arg10[%add3A_11, %parallel_loop3A_182], %parallel_loop3A_206 : memref<64x129xf32, #tpu.memory_space<vmem>>[vector<16xi32>, vector<16xi32>], vector<16xf32>,
        %parallel_loop3A_207 = arith.constant 0 : i32
        %parallel_loop3A_208 = tpu.memref_slice %arg6[%parallel_loop3A_178, %parallel_loop3A_207] : memref<128x64xf32, #tpu.memory_space<vmem>> -> memref<1x64xf32, #tpu.memory_space<vmem>>
        %parallel_loop3A_209 = tpu.memref_squeeze %parallel_loop3A_208 : memref<1x64xf32, #tpu.memory_space<vmem>> -> memref<64xf32, #tpu.memory_space<vmem>>
        %parallel_loop3A_210 = arith.constant 48 : index
        %parallel_loop3A_211 = tpu.vector_load %parallel_loop3A_209[%parallel_loop3A_210] {strides = array<i32>} : memref<64xf32, #tpu.memory_space<vmem>>, vector<16xf32>,
        %parallel_loop3A_212 = arith.constant 8.000000e+00 : f32
        %parallel_loop3A_213 = vector.broadcast %parallel_loop3A_212 : f32 to vector<16xf32>
        %parallel_loop3A_214 = arith.mulf %parallel_loop3A_211, %parallel_loop3A_213 : vector<16xf32>
        tpu.vector_store_idx %arg10[%add3A_15, %parallel_loop3A_182], %parallel_loop3A_214 : memref<64x129xf32, #tpu.memory_space<vmem>>[vector<16xi32>, vector<16xi32>], vector<16xf32>,
      } {sc.loop_unroll_factor = 4 : i64, sc.parallel_access}
      %scan3A_83 = arith.constant 0 : i32
      %scan3A_84 = arith.constant 8 : i32
      %scan3A_85 = arith.addi %scan3A_83, %scan3A_84 : i32
      %scan3A_86 = arith.constant 2 : i32
      scf.for %scan3A_178 = %scan3A_83 to %scan3A_85 step %scan3A_86  : i32 {
        %mul3A_179 = arith.constant 1 : i32
        %mul3A_180 = arith.muli %scan3A_178, %mul3A_179 : i32
        %add3A_181 = arith.constant 0 : i32
        %add3A_182 = arith.addi %add3A_181, %mul3A_180 : i32
        %mul3A_183 = arith.constant 8 : i32
        %mul3A_184 = arith.muli %add3A_182, %mul3A_183 : i32
        %dma_start3A_185 = arith.constant 0 : i32
        %dma_start3A_186 = tpu.memref_slice %arg10[%mul3A_184, %dma_start3A_185] : memref<64x129xf32, #tpu.memory_space<vmem>> -> memref<8x128xf32, #tpu.memory_space<vmem>>
        %dma_start3A_187 = arith.constant 0 : i32
        %dma_start3A_188 = arith.constant 0 : i32
        %dma_start3A_189 = tpu.memref_slice %arg4[%add3A_66, %add3A_182, %add3A, %dma_start3A_187, %dma_start3A_188] : memref<200x8x32x8x128xf32, #tpu.memory_space<hbm>> -> memref<1x1x1x8x128xf32, #tpu.memory_space<hbm>>
        %dma_start3A_190 = tpu.memref_squeeze %dma_start3A_189 : memref<1x1x1x8x128xf32, #tpu.memory_space<hbm>> -> memref<8x128xf32, #tpu.memory_space<hbm>>
        %dma_start3A_191 = arith.constant 0 : i32
        %dma_start3A_192 = arith.constant 0 : i32
        %dma_start3A_193 = tpu.memref_slice %arg4[%add3A_66, %add3A_182, %add3A, %dma_start3A_191, %dma_start3A_192] : memref<200x8x32x8x128xf32, #tpu.memory_space<hbm>> -> memref<1x1x1x8x128xf32, #tpu.memory_space<hbm>>
        %dma_start3A_194 = tpu.memref_squeeze %dma_start3A_193 : memref<1x1x1x8x128xf32, #tpu.memory_space<hbm>> -> memref<8x128xf32, #tpu.memory_space<hbm>>
        %dma_start3A_195 = arith.constant 0 : i32
        %dma_start3A_196 = tpu.memref_slice %arg10[%mul3A_184, %dma_start3A_195] : memref<64x129xf32, #tpu.memory_space<vmem>> -> memref<8x128xf32, #tpu.memory_space<vmem>>
        tpu.enqueue_dma source(%dma_start3A_196 : memref<8x128xf32, #tpu.memory_space<vmem>>) target(%dma_start3A_194 : memref<8x128xf32, #tpu.memory_space<hbm>>) target_semaphore(%arg18 : memref<!tpu.dma_semaphore, #tpu.memory_space<semaphore_mem>>)
        %scan3A_197 = arith.constant 1 : i32
        %scan3A_198 = arith.addi %scan3A_178, %scan3A_197 : i32
        %mul3A_199 = arith.constant 1 : i32
        %mul3A_200 = arith.muli %scan3A_198, %mul3A_199 : i32
        %add3A_201 = arith.constant 0 : i32
        %add3A_202 = arith.addi %add3A_201, %mul3A_200 : i32
        %mul3A_203 = arith.constant 8 : i32
        %mul3A_204 = arith.muli %add3A_202, %mul3A_203 : i32
        %dma_start3A_205 = arith.constant 0 : i32
        %dma_start3A_206 = tpu.memref_slice %arg10[%mul3A_204, %dma_start3A_205] : memref<64x129xf32, #tpu.memory_space<vmem>> -> memref<8x128xf32, #tpu.memory_space<vmem>>
        %dma_start3A_207 = arith.constant 0 : i32
        %dma_start3A_208 = arith.constant 0 : i32
        %dma_start3A_209 = tpu.memref_slice %arg4[%add3A_66, %add3A_202, %add3A, %dma_start3A_207, %dma_start3A_208] : memref<200x8x32x8x128xf32, #tpu.memory_space<hbm>> -> memref<1x1x1x8x128xf32, #tpu.memory_space<hbm>>
        %dma_start3A_210 = tpu.memref_squeeze %dma_start3A_209 : memref<1x1x1x8x128xf32, #tpu.memory_space<hbm>> -> memref<8x128xf32, #tpu.memory_space<hbm>>
        %dma_start3A_211 = arith.constant 0 : i32
        %dma_start3A_212 = arith.constant 0 : i32
        %dma_start3A_213 = tpu.memref_slice %arg4[%add3A_66, %add3A_202, %add3A, %dma_start3A_211, %dma_start3A_212] : memref<200x8x32x8x128xf32, #tpu.memory_space<hbm>> -> memref<1x1x1x8x128xf32, #tpu.memory_space<hbm>>
        %dma_start3A_214 = tpu.memref_squeeze %dma_start3A_213 : memref<1x1x1x8x128xf32, #tpu.memory_space<hbm>> -> memref<8x128xf32, #tpu.memory_space<hbm>>
        %dma_start3A_215 = arith.constant 0 : i32
        %dma_start3A_216 = tpu.memref_slice %arg10[%mul3A_204, %dma_start3A_215] : memref<64x129xf32, #tpu.memory_space<vmem>> -> memref<8x128xf32, #tpu.memory_space<vmem>>
        tpu.enqueue_dma source(%dma_start3A_216 : memref<8x128xf32, #tpu.memory_space<vmem>>) target(%dma_start3A_214 : memref<8x128xf32, #tpu.memory_space<hbm>>) target_semaphore(%arg18 : memref<!tpu.dma_semaphore, #tpu.memory_space<semaphore_mem>>)
      }
      %scan3A_87 = arith.constant 8 : i32
      %add3A_88 = arith.constant 1 : i32
      %add3A_89 = arith.addi %add3A_64, %add3A_88 : i32
      %add3A_90 = arith.constant 4 : i32
      %add3A_91 = arith.addi %add3A_89, %add3A_90 : i32
      %sub3A_92 = arith.constant 1 : i32
      %sub3A_93 = arith.subi %add3A_91, %sub3A_92 : i32
      %lt3A_94 = arith.constant 200 : i32
      %lt3A_95 = arith.cmpi slt, %sub3A_93, %lt3A_94 : i32
      %convert_element_type3A_96 = arith.extui %lt3A_95 : i1 to i32
      %cond3A_97 = arith.constant 0 : i32
      %cond3A_98 = arith.cmpi ne, %convert_element_type3A_96, %cond3A_97 : i32
      scf.if %cond3A_98 {
        %add3A_178 = arith.constant 4 : i32
        %add3A_179 = arith.addi %add3A_89, %add3A_178 : i32
        %sub3A_180 = arith.constant 1 : i32
        %sub3A_181 = arith.subi %add3A_179, %sub3A_180 : i32
        %dma_start3A_182 = arith.constant 0 : i32
        %dma_start3A_183 = tpu.memref_slice %arg5[%sub3A_181, %dma_start3A_182] : memref<200x128xi32, #tpu.memory_space<vmem>> -> memref<1x128xi32, #tpu.memory_space<vmem>>
        %dma_start3A_184 = tpu.memref_squeeze %dma_start3A_183 : memref<1x128xi32, #tpu.memory_space<vmem>> -> memref<128xi32, #tpu.memory_space<vmem>>
        %dma_start3A_185 = arith.constant 0 : i32
        %dma_start3A_186 = arith.constant 0 : i32
        %dma_start3A_187 = tpu.memref_slice %arg3[%dma_start3A_185, %dma_start3A_186] : memref<1015808x64xf32, #tpu.memory_space<hbm>> -> memref<1015808x64xf32, #tpu.memory_space<hbm>>
        tpu.enqueue_indirect_dma source(%dma_start3A_187 : memref<1015808x64xf32, #tpu.memory_space<hbm>>) target(%arg6 : memref<128x64xf32, #tpu.memory_space<vmem>>) offsets(%dma_start3A_184 : memref<128xi32, #tpu.memory_space<vmem>>) semaphore(%arg14 : memref<!tpu.dma_semaphore, #tpu.memory_space<semaphore_mem>>)
      } else {
      }
      %dma_wait3A_99 = arith.constant 0 : i32
      %dma_wait3A_100 = arith.constant 0 : i32
      %dma_wait3A_101 = tpu.memref_slice %arg3[%dma_wait3A_99, %dma_wait3A_100] : memref<1015808x64xf32, #tpu.memory_space<hbm>> -> memref<128x64xf32, #tpu.memory_space<hbm>>
      %dma_wait3A_102 = arith.constant 0 : i32
      %dma_wait3A_103 = arith.constant 0 : i32
      %dma_wait3A_104 = tpu.memref_slice %arg3[%dma_wait3A_102, %dma_wait3A_103] : memref<1015808x64xf32, #tpu.memory_space<hbm>> -> memref<128x64xf32, #tpu.memory_space<hbm>>
      tpu.wait_dma2 semaphore(%arg15 : memref<!tpu.dma_semaphore, #tpu.memory_space<semaphore_mem>>) src(%dma_wait3A_104 : memref<128x64xf32, #tpu.memory_space<hbm>>) dst(%arg7 : memref<128x64xf32, #tpu.memory_space<vmem>>)
      %ge3A_105 = arith.constant 4 : i32
      %ge3A_106 = arith.cmpi sge, %add3A_89, %ge3A_105 : i32
      %convert_element_type3A_107 = arith.extui %ge3A_106 : i1 to i32
      %cond3A_108 = arith.constant 0 : i32
      %cond3A_109 = arith.cmpi ne, %convert_element_type3A_107, %cond3A_108 : i32
      scf.if %cond3A_109 {
        %scan3A_178 = arith.constant 0 : i32
        %scan3A_179 = arith.constant 8 : i32
        %scan3A_180 = arith.addi %scan3A_178, %scan3A_179 : i32
        %scan3A_181 = arith.constant 1 : i32
        scf.for %scan3A_183 = %scan3A_178 to %scan3A_180 step %scan3A_181  : i32 {
          %mul3A_184 = arith.constant 1 : i32
          %mul3A_185 = arith.muli %scan3A_183, %mul3A_184 : i32
          %add3A_186 = arith.constant 0 : i32
          %add3A_187 = arith.addi %add3A_186, %mul3A_185 : i32
          %dma_wait3A_188 = arith.constant 0 : i32
          %dma_wait3A_189 = arith.constant 0 : i32
          %dma_wait3A_190 = arith.constant 0 : i32
          %dma_wait3A_191 = arith.constant 0 : i32
          %dma_wait3A_192 = arith.constant 0 : i32
          %dma_wait3A_193 = tpu.memref_slice %arg11[%dma_wait3A_191, %dma_wait3A_192] : memref<64x129xf32, #tpu.memory_space<vmem>> -> memref<8x128xf32, #tpu.memory_space<vmem>>
          %dma_wait3A_194 = arith.constant 0 : i32
          %dma_wait3A_195 = arith.constant 0 : i32
          %dma_wait3A_196 = tpu.memref_slice %arg4[%dma_wait3A_188, %dma_wait3A_189, %dma_wait3A_190, %dma_wait3A_194, %dma_wait3A_195] : memref<200x8x32x8x128xf32, #tpu.memory_space<hbm>> -> memref<1x1x1x8x128xf32, #tpu.memory_space<hbm>>
          %dma_wait3A_197 = tpu.memref_squeeze %dma_wait3A_196 : memref<1x1x1x8x128xf32, #tpu.memory_space<hbm>> -> memref<8x128xf32, #tpu.memory_space<hbm>>
          %dma_wait3A_198 = arith.constant 0 : i32
          %dma_wait3A_199 = arith.constant 0 : i32
          %dma_wait3A_200 = tpu.memref_slice %arg4[%dma_wait3A_188, %dma_wait3A_189, %dma_wait3A_190, %dma_wait3A_198, %dma_wait3A_199] : memref<200x8x32x8x128xf32, #tpu.memory_space<hbm>> -> memref<1x1x1x8x128xf32, #tpu.memory_space<hbm>>
          %dma_wait3A_201 = tpu.memref_squeeze %dma_wait3A_200 : memref<1x1x1x8x128xf32, #tpu.memory_space<hbm>> -> memref<8x128xf32, #tpu.memory_space<hbm>>
          %dma_wait3A_202 = arith.constant 0 : i32
          %dma_wait3A_203 = arith.constant 0 : i32
          %dma_wait3A_204 = tpu.memref_slice %arg11[%dma_wait3A_202, %dma_wait3A_203] : memref<64x129xf32, #tpu.memory_space<vmem>> -> memref<8x128xf32, #tpu.memory_space<vmem>>
          tpu.wait_dma2 semaphore(%arg19 : memref<!tpu.dma_semaphore, #tpu.memory_space<semaphore_mem>>) src(%dma_wait3A_204 : memref<8x128xf32, #tpu.memory_space<vmem>>) dst(%dma_wait3A_201 : memref<8x128xf32, #tpu.memory_space<hbm>>)
        }
        %scan3A_182 = arith.constant 8 : i32
      } else {
      }
      %parallel_loop3A_110 = arith.constant 0 : i32
      %parallel_loop3A_111 = arith.constant 128 : i32
      %parallel_loop3A_112 = arith.constant 1 : i32
      scf.for %parallel_loop3A_178 = %parallel_loop3A_110 to %parallel_loop3A_111 step %parallel_loop3A_112  : i32 {
        %parallel_loop3A_179 = arith.constant 0 : i32
        %parallel_loop3A_180 = vector.broadcast %parallel_loop3A_179 : i32 to vector<16xi32>
        %parallel_loop3A_181 = vector.broadcast %parallel_loop3A_178 : i32 to vector<16xi32>
        %parallel_loop3A_182 = arith.addi %parallel_loop3A_180, %parallel_loop3A_181 : vector<16xi32>
        %parallel_loop3A_183 = arith.constant 0 : i32
        %parallel_loop3A_184 = tpu.memref_slice %arg7[%parallel_loop3A_178, %parallel_loop3A_183] : memref<128x64xf32, #tpu.memory_space<vmem>> -> memref<1x64xf32, #tpu.memory_space<vmem>>
        %parallel_loop3A_185 = tpu.memref_squeeze %parallel_loop3A_184 : memref<1x64xf32, #tpu.memory_space<vmem>> -> memref<64xf32, #tpu.memory_space<vmem>>
        %parallel_loop3A_186 = arith.constant 0 : index
        %parallel_loop3A_187 = tpu.vector_load %parallel_loop3A_185[%parallel_loop3A_186] {strides = array<i32>} : memref<64xf32, #tpu.memory_space<vmem>>, vector<16xf32>,
        %parallel_loop3A_188 = arith.constant 8.000000e+00 : f32
        %parallel_loop3A_189 = vector.broadcast %parallel_loop3A_188 : f32 to vector<16xf32>
        %parallel_loop3A_190 = arith.mulf %parallel_loop3A_187, %parallel_loop3A_189 : vector<16xf32>
        tpu.vector_store_idx %arg11[%add3A_3, %parallel_loop3A_182], %parallel_loop3A_190 : memref<64x129xf32, #tpu.memory_space<vmem>>[vector<16xi32>, vector<16xi32>], vector<16xf32>,
        %parallel_loop3A_191 = arith.constant 0 : i32
        %parallel_loop3A_192 = tpu.memref_slice %arg7[%parallel_loop3A_178, %parallel_loop3A_191] : memref<128x64xf32, #tpu.memory_space<vmem>> -> memref<1x64xf32, #tpu.memory_space<vmem>>
        %parallel_loop3A_193 = tpu.memref_squeeze %parallel_loop3A_192 : memref<1x64xf32, #tpu.memory_space<vmem>> -> memref<64xf32, #tpu.memory_space<vmem>>
        %parallel_loop3A_194 = arith.constant 16 : index
        %parallel_loop3A_195 = tpu.vector_load %parallel_loop3A_193[%parallel_loop3A_194] {strides = array<i32>} : memref<64xf32, #tpu.memory_space<vmem>>, vector<16xf32>,
        %parallel_loop3A_196 = arith.constant 8.000000e+00 : f32
        %parallel_loop3A_197 = vector.broadcast %parallel_loop3A_196 : f32 to vector<16xf32>
        %parallel_loop3A_198 = arith.mulf %parallel_loop3A_195, %parallel_loop3A_197 : vector<16xf32>
        tpu.vector_store_idx %arg11[%add3A_7, %parallel_loop3A_182], %parallel_loop3A_198 : memref<64x129xf32, #tpu.memory_space<vmem>>[vector<16xi32>, vector<16xi32>], vector<16xf32>,
        %parallel_loop3A_199 = arith.constant 0 : i32
        %parallel_loop3A_200 = tpu.memref_slice %arg7[%parallel_loop3A_178, %parallel_loop3A_199] : memref<128x64xf32, #tpu.memory_space<vmem>> -> memref<1x64xf32, #tpu.memory_space<vmem>>
        %parallel_loop3A_201 = tpu.memref_squeeze %parallel_loop3A_200 : memref<1x64xf32, #tpu.memory_space<vmem>> -> memref<64xf32, #tpu.memory_space<vmem>>
        %parallel_loop3A_202 = arith.constant 32 : index
        %parallel_loop3A_203 = tpu.vector_load %parallel_loop3A_201[%parallel_loop3A_202] {strides = array<i32>} : memref<64xf32, #tpu.memory_space<vmem>>, vector<16xf32>,
        %parallel_loop3A_204 = arith.constant 8.000000e+00 : f32
        %parallel_loop3A_205 = vector.broadcast %parallel_loop3A_204 : f32 to vector<16xf32>
        %parallel_loop3A_206 = arith.mulf %parallel_loop3A_203, %parallel_loop3A_205 : vector<16xf32>
        tpu.vector_store_idx %arg11[%add3A_11, %parallel_loop3A_182], %parallel_loop3A_206 : memref<64x129xf32, #tpu.memory_space<vmem>>[vector<16xi32>, vector<16xi32>], vector<16xf32>,
        %parallel_loop3A_207 = arith.constant 0 : i32
        %parallel_loop3A_208 = tpu.memref_slice %arg7[%parallel_loop3A_178, %parallel_loop3A_207] : memref<128x64xf32, #tpu.memory_space<vmem>> -> memref<1x64xf32, #tpu.memory_space<vmem>>
        %parallel_loop3A_209 = tpu.memref_squeeze %parallel_loop3A_208 : memref<1x64xf32, #tpu.memory_space<vmem>> -> memref<64xf32, #tpu.memory_space<vmem>>
        %parallel_loop3A_210 = arith.constant 48 : index
        %parallel_loop3A_211 = tpu.vector_load %parallel_loop3A_209[%parallel_loop3A_210] {strides = array<i32>} : memref<64xf32, #tpu.memory_space<vmem>>, vector<16xf32>,
        %parallel_loop3A_212 = arith.constant 8.000000e+00 : f32
        %parallel_loop3A_213 = vector.broadcast %parallel_loop3A_212 : f32 to vector<16xf32>
        %parallel_loop3A_214 = arith.mulf %parallel_loop3A_211, %parallel_loop3A_213 : vector<16xf32>
        tpu.vector_store_idx %arg11[%add3A_15, %parallel_loop3A_182], %parallel_loop3A_214 : memref<64x129xf32, #tpu.memory_space<vmem>>[vector<16xi32>, vector<16xi32>], vector<16xf32>,
      } {sc.loop_unroll_factor = 4 : i64, sc.parallel_access}
      %scan3A_113 = arith.constant 0 : i32
      %scan3A_114 = arith.constant 8 : i32
      %scan3A_115 = arith.addi %scan3A_113, %scan3A_114 : i32
      %scan3A_116 = arith.constant 2 : i32
      scf.for %scan3A_178 = %scan3A_113 to %scan3A_115 step %scan3A_116  : i32 {
        %mul3A_179 = arith.constant 1 : i32
        %mul3A_180 = arith.muli %scan3A_178, %mul3A_179 : i32
        %add3A_181 = arith.constant 0 : i32
        %add3A_182 = arith.addi %add3A_181, %mul3A_180 : i32
        %mul3A_183 = arith.constant 8 : i32
        %mul3A_184 = arith.muli %add3A_182, %mul3A_183 : i32
        %dma_start3A_185 = arith.constant 0 : i32
        %dma_start3A_186 = tpu.memref_slice %arg11[%mul3A_184, %dma_start3A_185] : memref<64x129xf32, #tpu.memory_space<vmem>> -> memref<8x128xf32, #tpu.memory_space<vmem>>
        %dma_start3A_187 = arith.constant 0 : i32
        %dma_start3A_188 = arith.constant 0 : i32
        %dma_start3A_189 = tpu.memref_slice %arg4[%add3A_89, %add3A_182, %add3A, %dma_start3A_187, %dma_start3A_188] : memref<200x8x32x8x128xf32, #tpu.memory_space<hbm>> -> memref<1x1x1x8x128xf32, #tpu.memory_space<hbm>>
        %dma_start3A_190 = tpu.memref_squeeze %dma_start3A_189 : memref<1x1x1x8x128xf32, #tpu.memory_space<hbm>> -> memref<8x128xf32, #tpu.memory_space<hbm>>
        %dma_start3A_191 = arith.constant 0 : i32
        %dma_start3A_192 = arith.constant 0 : i32
        %dma_start3A_193 = tpu.memref_slice %arg4[%add3A_89, %add3A_182, %add3A, %dma_start3A_191, %dma_start3A_192] : memref<200x8x32x8x128xf32, #tpu.memory_space<hbm>> -> memref<1x1x1x8x128xf32, #tpu.memory_space<hbm>>
        %dma_start3A_194 = tpu.memref_squeeze %dma_start3A_193 : memref<1x1x1x8x128xf32, #tpu.memory_space<hbm>> -> memref<8x128xf32, #tpu.memory_space<hbm>>
        %dma_start3A_195 = arith.constant 0 : i32
        %dma_start3A_196 = tpu.memref_slice %arg11[%mul3A_184, %dma_start3A_195] : memref<64x129xf32, #tpu.memory_space<vmem>> -> memref<8x128xf32, #tpu.memory_space<vmem>>
        tpu.enqueue_dma source(%dma_start3A_196 : memref<8x128xf32, #tpu.memory_space<vmem>>) target(%dma_start3A_194 : memref<8x128xf32, #tpu.memory_space<hbm>>) target_semaphore(%arg19 : memref<!tpu.dma_semaphore, #tpu.memory_space<semaphore_mem>>)
        %scan3A_197 = arith.constant 1 : i32
        %scan3A_198 = arith.addi %scan3A_178, %scan3A_197 : i32
        %mul3A_199 = arith.constant 1 : i32
        %mul3A_200 = arith.muli %scan3A_198, %mul3A_199 : i32
        %add3A_201 = arith.constant 0 : i32
        %add3A_202 = arith.addi %add3A_201, %mul3A_200 : i32
        %mul3A_203 = arith.constant 8 : i32
        %mul3A_204 = arith.muli %add3A_202, %mul3A_203 : i32
        %dma_start3A_205 = arith.constant 0 : i32
        %dma_start3A_206 = tpu.memref_slice %arg11[%mul3A_204, %dma_start3A_205] : memref<64x129xf32, #tpu.memory_space<vmem>> -> memref<8x128xf32, #tpu.memory_space<vmem>>
        %dma_start3A_207 = arith.constant 0 : i32
        %dma_start3A_208 = arith.constant 0 : i32
        %dma_start3A_209 = tpu.memref_slice %arg4[%add3A_89, %add3A_202, %add3A, %dma_start3A_207, %dma_start3A_208] : memref<200x8x32x8x128xf32, #tpu.memory_space<hbm>> -> memref<1x1x1x8x128xf32, #tpu.memory_space<hbm>>
        %dma_start3A_210 = tpu.memref_squeeze %dma_start3A_209 : memref<1x1x1x8x128xf32, #tpu.memory_space<hbm>> -> memref<8x128xf32, #tpu.memory_space<hbm>>
        %dma_start3A_211 = arith.constant 0 : i32
        %dma_start3A_212 = arith.constant 0 : i32
        %dma_start3A_213 = tpu.memref_slice %arg4[%add3A_89, %add3A_202, %add3A, %dma_start3A_211, %dma_start3A_212] : memref<200x8x32x8x128xf32, #tpu.memory_space<hbm>> -> memref<1x1x1x8x128xf32, #tpu.memory_space<hbm>>
        %dma_start3A_214 = tpu.memref_squeeze %dma_start3A_213 : memref<1x1x1x8x128xf32, #tpu.memory_space<hbm>> -> memref<8x128xf32, #tpu.memory_space<hbm>>
        %dma_start3A_215 = arith.constant 0 : i32
        %dma_start3A_216 = tpu.memref_slice %arg11[%mul3A_204, %dma_start3A_215] : memref<64x129xf32, #tpu.memory_space<vmem>> -> memref<8x128xf32, #tpu.memory_space<vmem>>
        tpu.enqueue_dma source(%dma_start3A_216 : memref<8x128xf32, #tpu.memory_space<vmem>>) target(%dma_start3A_214 : memref<8x128xf32, #tpu.memory_space<hbm>>) target_semaphore(%arg19 : memref<!tpu.dma_semaphore, #tpu.memory_space<semaphore_mem>>)
      }
      %scan3A_117 = arith.constant 8 : i32
      %add3A_118 = arith.constant 2 : i32
      %add3A_119 = arith.addi %add3A_64, %add3A_118 : i32
      %add3A_120 = arith.constant 4 : i32
      %add3A_121 = arith.addi %add3A_119, %add3A_120 : i32
      %sub3A_122 = arith.constant 1 : i32
      %sub3A_123 = arith.subi %add3A_121, %sub3A_122 : i32
      %lt3A_124 = arith.constant 200 : i32
      %lt3A_125 = arith.cmpi slt, %sub3A_123, %lt3A_124 : i32
      %convert_element_type3A_126 = arith.extui %lt3A_125 : i1 to i32
      %cond3A_127 = arith.constant 0 : i32
      %cond3A_128 = arith.cmpi ne, %convert_element_type3A_126, %cond3A_127 : i32
      scf.if %cond3A_128 {
        %add3A_178 = arith.constant 4 : i32
        %add3A_179 = arith.addi %add3A_119, %add3A_178 : i32
        %sub3A_180 = arith.constant 1 : i32
        %sub3A_181 = arith.subi %add3A_179, %sub3A_180 : i32
        %dma_start3A_182 = arith.constant 0 : i32
        %dma_start3A_183 = tpu.memref_slice %arg5[%sub3A_181, %dma_start3A_182] : memref<200x128xi32, #tpu.memory_space<vmem>> -> memref<1x128xi32, #tpu.memory_space<vmem>>
        %dma_start3A_184 = tpu.memref_squeeze %dma_start3A_183 : memref<1x128xi32, #tpu.memory_space<vmem>> -> memref<128xi32, #tpu.memory_space<vmem>>
        %dma_start3A_185 = arith.constant 0 : i32
        %dma_start3A_186 = arith.constant 0 : i32
        %dma_start3A_187 = tpu.memref_slice %arg3[%dma_start3A_185, %dma_start3A_186] : memref<1015808x64xf32, #tpu.memory_space<hbm>> -> memref<1015808x64xf32, #tpu.memory_space<hbm>>
        tpu.enqueue_indirect_dma source(%dma_start3A_187 : memref<1015808x64xf32, #tpu.memory_space<hbm>>) target(%arg7 : memref<128x64xf32, #tpu.memory_space<vmem>>) offsets(%dma_start3A_184 : memref<128xi32, #tpu.memory_space<vmem>>) semaphore(%arg15 : memref<!tpu.dma_semaphore, #tpu.memory_space<semaphore_mem>>)
      } else {
      }
      %dma_wait3A_129 = arith.constant 0 : i32
      %dma_wait3A_130 = arith.constant 0 : i32
      %dma_wait3A_131 = tpu.memref_slice %arg3[%dma_wait3A_129, %dma_wait3A_130] : memref<1015808x64xf32, #tpu.memory_space<hbm>> -> memref<128x64xf32, #tpu.memory_space<hbm>>
      %dma_wait3A_132 = arith.constant 0 : i32
      %dma_wait3A_133 = arith.constant 0 : i32
      %dma_wait3A_134 = tpu.memref_slice %arg3[%dma_wait3A_132, %dma_wait3A_133] : memref<1015808x64xf32, #tpu.memory_space<hbm>> -> memref<128x64xf32, #tpu.memory_space<hbm>>
      tpu.wait_dma2 semaphore(%arg16 : memref<!tpu.dma_semaphore, #tpu.memory_space<semaphore_mem>>) src(%dma_wait3A_134 : memref<128x64xf32, #tpu.memory_space<hbm>>) dst(%arg8 : memref<128x64xf32, #tpu.memory_space<vmem>>)
      %ge3A_135 = arith.constant 4 : i32
      %ge3A_136 = arith.cmpi sge, %add3A_119, %ge3A_135 : i32
      %convert_element_type3A_137 = arith.extui %ge3A_136 : i1 to i32
      %cond3A_138 = arith.constant 0 : i32
      %cond3A_139 = arith.cmpi ne, %convert_element_type3A_137, %cond3A_138 : i32
      scf.if %cond3A_139 {
        %scan3A_178 = arith.constant 0 : i32
        %scan3A_179 = arith.constant 8 : i32
        %scan3A_180 = arith.addi %scan3A_178, %scan3A_179 : i32
        %scan3A_181 = arith.constant 1 : i32
        scf.for %scan3A_183 = %scan3A_178 to %scan3A_180 step %scan3A_181  : i32 {
          %mul3A_184 = arith.constant 1 : i32
          %mul3A_185 = arith.muli %scan3A_183, %mul3A_184 : i32
          %add3A_186 = arith.constant 0 : i32
          %add3A_187 = arith.addi %add3A_186, %mul3A_185 : i32
          %dma_wait3A_188 = arith.constant 0 : i32
          %dma_wait3A_189 = arith.constant 0 : i32
          %dma_wait3A_190 = arith.constant 0 : i32
          %dma_wait3A_191 = arith.constant 0 : i32
          %dma_wait3A_192 = arith.constant 0 : i32
          %dma_wait3A_193 = tpu.memref_slice %arg12[%dma_wait3A_191, %dma_wait3A_192] : memref<64x129xf32, #tpu.memory_space<vmem>> -> memref<8x128xf32, #tpu.memory_space<vmem>>
          %dma_wait3A_194 = arith.constant 0 : i32
          %dma_wait3A_195 = arith.constant 0 : i32
          %dma_wait3A_196 = tpu.memref_slice %arg4[%dma_wait3A_188, %dma_wait3A_189, %dma_wait3A_190, %dma_wait3A_194, %dma_wait3A_195] : memref<200x8x32x8x128xf32, #tpu.memory_space<hbm>> -> memref<1x1x1x8x128xf32, #tpu.memory_space<hbm>>
          %dma_wait3A_197 = tpu.memref_squeeze %dma_wait3A_196 : memref<1x1x1x8x128xf32, #tpu.memory_space<hbm>> -> memref<8x128xf32, #tpu.memory_space<hbm>>
          %dma_wait3A_198 = arith.constant 0 : i32
          %dma_wait3A_199 = arith.constant 0 : i32
          %dma_wait3A_200 = tpu.memref_slice %arg4[%dma_wait3A_188, %dma_wait3A_189, %dma_wait3A_190, %dma_wait3A_198, %dma_wait3A_199] : memref<200x8x32x8x128xf32, #tpu.memory_space<hbm>> -> memref<1x1x1x8x128xf32, #tpu.memory_space<hbm>>
          %dma_wait3A_201 = tpu.memref_squeeze %dma_wait3A_200 : memref<1x1x1x8x128xf32, #tpu.memory_space<hbm>> -> memref<8x128xf32, #tpu.memory_space<hbm>>
          %dma_wait3A_202 = arith.constant 0 : i32
          %dma_wait3A_203 = arith.constant 0 : i32
          %dma_wait3A_204 = tpu.memref_slice %arg12[%dma_wait3A_202, %dma_wait3A_203] : memref<64x129xf32, #tpu.memory_space<vmem>> -> memref<8x128xf32, #tpu.memory_space<vmem>>
          tpu.wait_dma2 semaphore(%arg20 : memref<!tpu.dma_semaphore, #tpu.memory_space<semaphore_mem>>) src(%dma_wait3A_204 : memref<8x128xf32, #tpu.memory_space<vmem>>) dst(%dma_wait3A_201 : memref<8x128xf32, #tpu.memory_space<hbm>>)
        }
        %scan3A_182 = arith.constant 8 : i32
      } else {
      }
      %parallel_loop3A_140 = arith.constant 0 : i32
      %parallel_loop3A_141 = arith.constant 128 : i32
      %parallel_loop3A_142 = arith.constant 1 : i32
      scf.for %parallel_loop3A_178 = %parallel_loop3A_140 to %parallel_loop3A_141 step %parallel_loop3A_142  : i32 {
        %parallel_loop3A_179 = arith.constant 0 : i32
        %parallel_loop3A_180 = vector.broadcast %parallel_loop3A_179 : i32 to vector<16xi32>
        %parallel_loop3A_181 = vector.broadcast %parallel_loop3A_178 : i32 to vector<16xi32>
        %parallel_loop3A_182 = arith.addi %parallel_loop3A_180, %parallel_loop3A_181 : vector<16xi32>
        %parallel_loop3A_183 = arith.constant 0 : i32
        %parallel_loop3A_184 = tpu.memref_slice %arg8[%parallel_loop3A_178, %parallel_loop3A_183] : memref<128x64xf32, #tpu.memory_space<vmem>> -> memref<1x64xf32, #tpu.memory_space<vmem>>
        %parallel_loop3A_185 = tpu.memref_squeeze %parallel_loop3A_184 : memref<1x64xf32, #tpu.memory_space<vmem>> -> memref<64xf32, #tpu.memory_space<vmem>>
        %parallel_loop3A_186 = arith.constant 0 : index
        %parallel_loop3A_187 = tpu.vector_load %parallel_loop3A_185[%parallel_loop3A_186] {strides = array<i32>} : memref<64xf32, #tpu.memory_space<vmem>>, vector<16xf32>,
        %parallel_loop3A_188 = arith.constant 8.000000e+00 : f32
        %parallel_loop3A_189 = vector.broadcast %parallel_loop3A_188 : f32 to vector<16xf32>
        %parallel_loop3A_190 = arith.mulf %parallel_loop3A_187, %parallel_loop3A_189 : vector<16xf32>
        tpu.vector_store_idx %arg12[%add3A_3, %parallel_loop3A_182], %parallel_loop3A_190 : memref<64x129xf32, #tpu.memory_space<vmem>>[vector<16xi32>, vector<16xi32>], vector<16xf32>,
        %parallel_loop3A_191 = arith.constant 0 : i32
        %parallel_loop3A_192 = tpu.memref_slice %arg8[%parallel_loop3A_178, %parallel_loop3A_191] : memref<128x64xf32, #tpu.memory_space<vmem>> -> memref<1x64xf32, #tpu.memory_space<vmem>>
        %parallel_loop3A_193 = tpu.memref_squeeze %parallel_loop3A_192 : memref<1x64xf32, #tpu.memory_space<vmem>> -> memref<64xf32, #tpu.memory_space<vmem>>
        %parallel_loop3A_194 = arith.constant 16 : index
        %parallel_loop3A_195 = tpu.vector_load %parallel_loop3A_193[%parallel_loop3A_194] {strides = array<i32>} : memref<64xf32, #tpu.memory_space<vmem>>, vector<16xf32>,
        %parallel_loop3A_196 = arith.constant 8.000000e+00 : f32
        %parallel_loop3A_197 = vector.broadcast %parallel_loop3A_196 : f32 to vector<16xf32>
        %parallel_loop3A_198 = arith.mulf %parallel_loop3A_195, %parallel_loop3A_197 : vector<16xf32>
        tpu.vector_store_idx %arg12[%add3A_7, %parallel_loop3A_182], %parallel_loop3A_198 : memref<64x129xf32, #tpu.memory_space<vmem>>[vector<16xi32>, vector<16xi32>], vector<16xf32>,
        %parallel_loop3A_199 = arith.constant 0 : i32
        %parallel_loop3A_200 = tpu.memref_slice %arg8[%parallel_loop3A_178, %parallel_loop3A_199] : memref<128x64xf32, #tpu.memory_space<vmem>> -> memref<1x64xf32, #tpu.memory_space<vmem>>
        %parallel_loop3A_201 = tpu.memref_squeeze %parallel_loop3A_200 : memref<1x64xf32, #tpu.memory_space<vmem>> -> memref<64xf32, #tpu.memory_space<vmem>>
        %parallel_loop3A_202 = arith.constant 32 : index
        %parallel_loop3A_203 = tpu.vector_load %parallel_loop3A_201[%parallel_loop3A_202] {strides = array<i32>} : memref<64xf32, #tpu.memory_space<vmem>>, vector<16xf32>,
        %parallel_loop3A_204 = arith.constant 8.000000e+00 : f32
        %parallel_loop3A_205 = vector.broadcast %parallel_loop3A_204 : f32 to vector<16xf32>
        %parallel_loop3A_206 = arith.mulf %parallel_loop3A_203, %parallel_loop3A_205 : vector<16xf32>
        tpu.vector_store_idx %arg12[%add3A_11, %parallel_loop3A_182], %parallel_loop3A_206 : memref<64x129xf32, #tpu.memory_space<vmem>>[vector<16xi32>, vector<16xi32>], vector<16xf32>,
        %parallel_loop3A_207 = arith.constant 0 : i32
        %parallel_loop3A_208 = tpu.memref_slice %arg8[%parallel_loop3A_178, %parallel_loop3A_207] : memref<128x64xf32, #tpu.memory_space<vmem>> -> memref<1x64xf32, #tpu.memory_space<vmem>>
        %parallel_loop3A_209 = tpu.memref_squeeze %parallel_loop3A_208 : memref<1x64xf32, #tpu.memory_space<vmem>> -> memref<64xf32, #tpu.memory_space<vmem>>
        %parallel_loop3A_210 = arith.constant 48 : index
        %parallel_loop3A_211 = tpu.vector_load %parallel_loop3A_209[%parallel_loop3A_210] {strides = array<i32>} : memref<64xf32, #tpu.memory_space<vmem>>, vector<16xf32>,
        %parallel_loop3A_212 = arith.constant 8.000000e+00 : f32
        %parallel_loop3A_213 = vector.broadcast %parallel_loop3A_212 : f32 to vector<16xf32>
        %parallel_loop3A_214 = arith.mulf %parallel_loop3A_211, %parallel_loop3A_213 : vector<16xf32>
        tpu.vector_store_idx %arg12[%add3A_15, %parallel_loop3A_182], %parallel_loop3A_214 : memref<64x129xf32, #tpu.memory_space<vmem>>[vector<16xi32>, vector<16xi32>], vector<16xf32>,
      } {sc.loop_unroll_factor = 4 : i64, sc.parallel_access}
      %scan3A_143 = arith.constant 0 : i32
      %scan3A_144 = arith.constant 8 : i32
      %scan3A_145 = arith.addi %scan3A_143, %scan3A_144 : i32
      %scan3A_146 = arith.constant 2 : i32
      scf.for %scan3A_178 = %scan3A_143 to %scan3A_145 step %scan3A_146  : i32 {
        %mul3A_179 = arith.constant 1 : i32
        %mul3A_180 = arith.muli %scan3A_178, %mul3A_179 : i32
        %add3A_181 = arith.constant 0 : i32
        %add3A_182 = arith.addi %add3A_181, %mul3A_180 : i32
        %mul3A_183 = arith.constant 8 : i32
        %mul3A_184 = arith.muli %add3A_182, %mul3A_183 : i32
        %dma_start3A_185 = arith.constant 0 : i32
        %dma_start3A_186 = tpu.memref_slice %arg12[%mul3A_184, %dma_start3A_185] : memref<64x129xf32, #tpu.memory_space<vmem>> -> memref<8x128xf32, #tpu.memory_space<vmem>>
        %dma_start3A_187 = arith.constant 0 : i32
        %dma_start3A_188 = arith.constant 0 : i32
        %dma_start3A_189 = tpu.memref_slice %arg4[%add3A_119, %add3A_182, %add3A, %dma_start3A_187, %dma_start3A_188] : memref<200x8x32x8x128xf32, #tpu.memory_space<hbm>> -> memref<1x1x1x8x128xf32, #tpu.memory_space<hbm>>
        %dma_start3A_190 = tpu.memref_squeeze %dma_start3A_189 : memref<1x1x1x8x128xf32, #tpu.memory_space<hbm>> -> memref<8x128xf32, #tpu.memory_space<hbm>>
        %dma_start3A_191 = arith.constant 0 : i32
        %dma_start3A_192 = arith.constant 0 : i32
        %dma_start3A_193 = tpu.memref_slice %arg4[%add3A_119, %add3A_182, %add3A, %dma_start3A_191, %dma_start3A_192] : memref<200x8x32x8x128xf32, #tpu.memory_space<hbm>> -> memref<1x1x1x8x128xf32, #tpu.memory_space<hbm>>
        %dma_start3A_194 = tpu.memref_squeeze %dma_start3A_193 : memref<1x1x1x8x128xf32, #tpu.memory_space<hbm>> -> memref<8x128xf32, #tpu.memory_space<hbm>>
        %dma_start3A_195 = arith.constant 0 : i32
        %dma_start3A_196 = tpu.memref_slice %arg12[%mul3A_184, %dma_start3A_195] : memref<64x129xf32, #tpu.memory_space<vmem>> -> memref<8x128xf32, #tpu.memory_space<vmem>>
        tpu.enqueue_dma source(%dma_start3A_196 : memref<8x128xf32, #tpu.memory_space<vmem>>) target(%dma_start3A_194 : memref<8x128xf32, #tpu.memory_space<hbm>>) target_semaphore(%arg20 : memref<!tpu.dma_semaphore, #tpu.memory_space<semaphore_mem>>)
        %scan3A_197 = arith.constant 1 : i32
        %scan3A_198 = arith.addi %scan3A_178, %scan3A_197 : i32
        %mul3A_199 = arith.constant 1 : i32
        %mul3A_200 = arith.muli %scan3A_198, %mul3A_199 : i32
        %add3A_201 = arith.constant 0 : i32
        %add3A_202 = arith.addi %add3A_201, %mul3A_200 : i32
        %mul3A_203 = arith.constant 8 : i32
        %mul3A_204 = arith.muli %add3A_202, %mul3A_203 : i32
        %dma_start3A_205 = arith.constant 0 : i32
        %dma_start3A_206 = tpu.memref_slice %arg12[%mul3A_204, %dma_start3A_205] : memref<64x129xf32, #tpu.memory_space<vmem>> -> memref<8x128xf32, #tpu.memory_space<vmem>>
        %dma_start3A_207 = arith.constant 0 : i32
        %dma_start3A_208 = arith.constant 0 : i32
        %dma_start3A_209 = tpu.memref_slice %arg4[%add3A_119, %add3A_202, %add3A, %dma_start3A_207, %dma_start3A_208] : memref<200x8x32x8x128xf32, #tpu.memory_space<hbm>> -> memref<1x1x1x8x128xf32, #tpu.memory_space<hbm>>
        %dma_start3A_210 = tpu.memref_squeeze %dma_start3A_209 : memref<1x1x1x8x128xf32, #tpu.memory_space<hbm>> -> memref<8x128xf32, #tpu.memory_space<hbm>>
        %dma_start3A_211 = arith.constant 0 : i32
        %dma_start3A_212 = arith.constant 0 : i32
        %dma_start3A_213 = tpu.memref_slice %arg4[%add3A_119, %add3A_202, %add3A, %dma_start3A_211, %dma_start3A_212] : memref<200x8x32x8x128xf32, #tpu.memory_space<hbm>> -> memref<1x1x1x8x128xf32, #tpu.memory_space<hbm>>
        %dma_start3A_214 = tpu.memref_squeeze %dma_start3A_213 : memref<1x1x1x8x128xf32, #tpu.memory_space<hbm>> -> memref<8x128xf32, #tpu.memory_space<hbm>>
        %dma_start3A_215 = arith.constant 0 : i32
        %dma_start3A_216 = tpu.memref_slice %arg12[%mul3A_204, %dma_start3A_215] : memref<64x129xf32, #tpu.memory_space<vmem>> -> memref<8x128xf32, #tpu.memory_space<vmem>>
        tpu.enqueue_dma source(%dma_start3A_216 : memref<8x128xf32, #tpu.memory_space<vmem>>) target(%dma_start3A_214 : memref<8x128xf32, #tpu.memory_space<hbm>>) target_semaphore(%arg20 : memref<!tpu.dma_semaphore, #tpu.memory_space<semaphore_mem>>)
      }
      %scan3A_147 = arith.constant 8 : i32
      %add3A_148 = arith.constant 3 : i32
      %add3A_149 = arith.addi %add3A_64, %add3A_148 : i32
      %add3A_150 = arith.constant 4 : i32
      %add3A_151 = arith.addi %add3A_149, %add3A_150 : i32
      %sub3A_152 = arith.constant 1 : i32
      %sub3A_153 = arith.subi %add3A_151, %sub3A_152 : i32
      %lt3A_154 = arith.constant 200 : i32
      %lt3A_155 = arith.cmpi slt, %sub3A_153, %lt3A_154 : i32
      %convert_element_type3A_156 = arith.extui %lt3A_155 : i1 to i32
      %cond3A_157 = arith.constant 0 : i32
      %cond3A_158 = arith.cmpi ne, %convert_element_type3A_156, %cond3A_157 : i32
      scf.if %cond3A_158 {
        %add3A_178 = arith.constant 4 : i32
        %add3A_179 = arith.addi %add3A_149, %add3A_178 : i32
        %sub3A_180 = arith.constant 1 : i32
        %sub3A_181 = arith.subi %add3A_179, %sub3A_180 : i32
        %dma_start3A_182 = arith.constant 0 : i32
        %dma_start3A_183 = tpu.memref_slice %arg5[%sub3A_181, %dma_start3A_182] : memref<200x128xi32, #tpu.memory_space<vmem>> -> memref<1x128xi32, #tpu.memory_space<vmem>>
        %dma_start3A_184 = tpu.memref_squeeze %dma_start3A_183 : memref<1x128xi32, #tpu.memory_space<vmem>> -> memref<128xi32, #tpu.memory_space<vmem>>
        %dma_start3A_185 = arith.constant 0 : i32
        %dma_start3A_186 = arith.constant 0 : i32
        %dma_start3A_187 = tpu.memref_slice %arg3[%dma_start3A_185, %dma_start3A_186] : memref<1015808x64xf32, #tpu.memory_space<hbm>> -> memref<1015808x64xf32, #tpu.memory_space<hbm>>
        tpu.enqueue_indirect_dma source(%dma_start3A_187 : memref<1015808x64xf32, #tpu.memory_space<hbm>>) target(%arg8 : memref<128x64xf32, #tpu.memory_space<vmem>>) offsets(%dma_start3A_184 : memref<128xi32, #tpu.memory_space<vmem>>) semaphore(%arg16 : memref<!tpu.dma_semaphore, #tpu.memory_space<semaphore_mem>>)
      } else {
      }
      %dma_wait3A_159 = arith.constant 0 : i32
      %dma_wait3A_160 = arith.constant 0 : i32
      %dma_wait3A_161 = tpu.memref_slice %arg3[%dma_wait3A_159, %dma_wait3A_160] : memref<1015808x64xf32, #tpu.memory_space<hbm>> -> memref<128x64xf32, #tpu.memory_space<hbm>>
      %dma_wait3A_162 = arith.constant 0 : i32
      %dma_wait3A_163 = arith.constant 0 : i32
      %dma_wait3A_164 = tpu.memref_slice %arg3[%dma_wait3A_162, %dma_wait3A_163] : memref<1015808x64xf32, #tpu.memory_space<hbm>> -> memref<128x64xf32, #tpu.memory_space<hbm>>
      tpu.wait_dma2 semaphore(%arg17 : memref<!tpu.dma_semaphore, #tpu.memory_space<semaphore_mem>>) src(%dma_wait3A_164 : memref<128x64xf32, #tpu.memory_space<hbm>>) dst(%arg9 : memref<128x64xf32, #tpu.memory_space<vmem>>)
      %ge3A_165 = arith.constant 4 : i32
      %ge3A_166 = arith.cmpi sge, %add3A_149, %ge3A_165 : i32
      %convert_element_type3A_167 = arith.extui %ge3A_166 : i1 to i32
      %cond3A_168 = arith.constant 0 : i32
      %cond3A_169 = arith.cmpi ne, %convert_element_type3A_167, %cond3A_168 : i32
      scf.if %cond3A_169 {
        %scan3A_178 = arith.constant 0 : i32
        %scan3A_179 = arith.constant 8 : i32
        %scan3A_180 = arith.addi %scan3A_178, %scan3A_179 : i32
        %scan3A_181 = arith.constant 1 : i32
        scf.for %scan3A_183 = %scan3A_178 to %scan3A_180 step %scan3A_181  : i32 {
          %mul3A_184 = arith.constant 1 : i32
          %mul3A_185 = arith.muli %scan3A_183, %mul3A_184 : i32
          %add3A_186 = arith.constant 0 : i32
          %add3A_187 = arith.addi %add3A_186, %mul3A_185 : i32
          %dma_wait3A_188 = arith.constant 0 : i32
          %dma_wait3A_189 = arith.constant 0 : i32
          %dma_wait3A_190 = arith.constant 0 : i32
          %dma_wait3A_191 = arith.constant 0 : i32
          %dma_wait3A_192 = arith.constant 0 : i32
          %dma_wait3A_193 = tpu.memref_slice %arg13[%dma_wait3A_191, %dma_wait3A_192] : memref<64x129xf32, #tpu.memory_space<vmem>> -> memref<8x128xf32, #tpu.memory_space<vmem>>
          %dma_wait3A_194 = arith.constant 0 : i32
          %dma_wait3A_195 = arith.constant 0 : i32
          %dma_wait3A_196 = tpu.memref_slice %arg4[%dma_wait3A_188, %dma_wait3A_189, %dma_wait3A_190, %dma_wait3A_194, %dma_wait3A_195] : memref<200x8x32x8x128xf32, #tpu.memory_space<hbm>> -> memref<1x1x1x8x128xf32, #tpu.memory_space<hbm>>
          %dma_wait3A_197 = tpu.memref_squeeze %dma_wait3A_196 : memref<1x1x1x8x128xf32, #tpu.memory_space<hbm>> -> memref<8x128xf32, #tpu.memory_space<hbm>>
          %dma_wait3A_198 = arith.constant 0 : i32
          %dma_wait3A_199 = arith.constant 0 : i32
          %dma_wait3A_200 = tpu.memref_slice %arg4[%dma_wait3A_188, %dma_wait3A_189, %dma_wait3A_190, %dma_wait3A_198, %dma_wait3A_199] : memref<200x8x32x8x128xf32, #tpu.memory_space<hbm>> -> memref<1x1x1x8x128xf32, #tpu.memory_space<hbm>>
          %dma_wait3A_201 = tpu.memref_squeeze %dma_wait3A_200 : memref<1x1x1x8x128xf32, #tpu.memory_space<hbm>> -> memref<8x128xf32, #tpu.memory_space<hbm>>
          %dma_wait3A_202 = arith.constant 0 : i32
          %dma_wait3A_203 = arith.constant 0 : i32
          %dma_wait3A_204 = tpu.memref_slice %arg13[%dma_wait3A_202, %dma_wait3A_203] : memref<64x129xf32, #tpu.memory_space<vmem>> -> memref<8x128xf32, #tpu.memory_space<vmem>>
          tpu.wait_dma2 semaphore(%arg21 : memref<!tpu.dma_semaphore, #tpu.memory_space<semaphore_mem>>) src(%dma_wait3A_204 : memref<8x128xf32, #tpu.memory_space<vmem>>) dst(%dma_wait3A_201 : memref<8x128xf32, #tpu.memory_space<hbm>>)
        }
        %scan3A_182 = arith.constant 8 : i32
      } else {
      }
      %parallel_loop3A_170 = arith.constant 0 : i32
      %parallel_loop3A_171 = arith.constant 128 : i32
      %parallel_loop3A_172 = arith.constant 1 : i32
      scf.for %parallel_loop3A_178 = %parallel_loop3A_170 to %parallel_loop3A_171 step %parallel_loop3A_172  : i32 {
        %parallel_loop3A_179 = arith.constant 0 : i32
        %parallel_loop3A_180 = vector.broadcast %parallel_loop3A_179 : i32 to vector<16xi32>
        %parallel_loop3A_181 = vector.broadcast %parallel_loop3A_178 : i32 to vector<16xi32>
        %parallel_loop3A_182 = arith.addi %parallel_loop3A_180, %parallel_loop3A_181 : vector<16xi32>
        %parallel_loop3A_183 = arith.constant 0 : i32
        %parallel_loop3A_184 = tpu.memref_slice %arg9[%parallel_loop3A_178, %parallel_loop3A_183] : memref<128x64xf32, #tpu.memory_space<vmem>> -> memref<1x64xf32, #tpu.memory_space<vmem>>
        %parallel_loop3A_185 = tpu.memref_squeeze %parallel_loop3A_184 : memref<1x64xf32, #tpu.memory_space<vmem>> -> memref<64xf32, #tpu.memory_space<vmem>>
        %parallel_loop3A_186 = arith.constant 0 : index
        %parallel_loop3A_187 = tpu.vector_load %parallel_loop3A_185[%parallel_loop3A_186] {strides = array<i32>} : memref<64xf32, #tpu.memory_space<vmem>>, vector<16xf32>,
        %parallel_loop3A_188 = arith.constant 8.000000e+00 : f32
        %parallel_loop3A_189 = vector.broadcast %parallel_loop3A_188 : f32 to vector<16xf32>
        %parallel_loop3A_190 = arith.mulf %parallel_loop3A_187, %parallel_loop3A_189 : vector<16xf32>
        tpu.vector_store_idx %arg13[%add3A_3, %parallel_loop3A_182], %parallel_loop3A_190 : memref<64x129xf32, #tpu.memory_space<vmem>>[vector<16xi32>, vector<16xi32>], vector<16xf32>,
        %parallel_loop3A_191 = arith.constant 0 : i32
        %parallel_loop3A_192 = tpu.memref_slice %arg9[%parallel_loop3A_178, %parallel_loop3A_191] : memref<128x64xf32, #tpu.memory_space<vmem>> -> memref<1x64xf32, #tpu.memory_space<vmem>>
        %parallel_loop3A_193 = tpu.memref_squeeze %parallel_loop3A_192 : memref<1x64xf32, #tpu.memory_space<vmem>> -> memref<64xf32, #tpu.memory_space<vmem>>
        %parallel_loop3A_194 = arith.constant 16 : index
        %parallel_loop3A_195 = tpu.vector_load %parallel_loop3A_193[%parallel_loop3A_194] {strides = array<i32>} : memref<64xf32, #tpu.memory_space<vmem>>, vector<16xf32>,
        %parallel_loop3A_196 = arith.constant 8.000000e+00 : f32
        %parallel_loop3A_197 = vector.broadcast %parallel_loop3A_196 : f32 to vector<16xf32>
        %parallel_loop3A_198 = arith.mulf %parallel_loop3A_195, %parallel_loop3A_197 : vector<16xf32>
        tpu.vector_store_idx %arg13[%add3A_7, %parallel_loop3A_182], %parallel_loop3A_198 : memref<64x129xf32, #tpu.memory_space<vmem>>[vector<16xi32>, vector<16xi32>], vector<16xf32>,
        %parallel_loop3A_199 = arith.constant 0 : i32
        %parallel_loop3A_200 = tpu.memref_slice %arg9[%parallel_loop3A_178, %parallel_loop3A_199] : memref<128x64xf32, #tpu.memory_space<vmem>> -> memref<1x64xf32, #tpu.memory_space<vmem>>
        %parallel_loop3A_201 = tpu.memref_squeeze %parallel_loop3A_200 : memref<1x64xf32, #tpu.memory_space<vmem>> -> memref<64xf32, #tpu.memory_space<vmem>>
        %parallel_loop3A_202 = arith.constant 32 : index
        %parallel_loop3A_203 = tpu.vector_load %parallel_loop3A_201[%parallel_loop3A_202] {strides = array<i32>} : memref<64xf32, #tpu.memory_space<vmem>>, vector<16xf32>,
        %parallel_loop3A_204 = arith.constant 8.000000e+00 : f32
        %parallel_loop3A_205 = vector.broadcast %parallel_loop3A_204 : f32 to vector<16xf32>
        %parallel_loop3A_206 = arith.mulf %parallel_loop3A_203, %parallel_loop3A_205 : vector<16xf32>
        tpu.vector_store_idx %arg13[%add3A_11, %parallel_loop3A_182], %parallel_loop3A_206 : memref<64x129xf32, #tpu.memory_space<vmem>>[vector<16xi32>, vector<16xi32>], vector<16xf32>,
        %parallel_loop3A_207 = arith.constant 0 : i32
        %parallel_loop3A_208 = tpu.memref_slice %arg9[%parallel_loop3A_178, %parallel_loop3A_207] : memref<128x64xf32, #tpu.memory_space<vmem>> -> memref<1x64xf32, #tpu.memory_space<vmem>>
        %parallel_loop3A_209 = tpu.memref_squeeze %parallel_loop3A_208 : memref<1x64xf32, #tpu.memory_space<vmem>> -> memref<64xf32, #tpu.memory_space<vmem>>
        %parallel_loop3A_210 = arith.constant 48 : index
        %parallel_loop3A_211 = tpu.vector_load %parallel_loop3A_209[%parallel_loop3A_210] {strides = array<i32>} : memref<64xf32, #tpu.memory_space<vmem>>, vector<16xf32>,
        %parallel_loop3A_212 = arith.constant 8.000000e+00 : f32
        %parallel_loop3A_213 = vector.broadcast %parallel_loop3A_212 : f32 to vector<16xf32>
        %parallel_loop3A_214 = arith.mulf %parallel_loop3A_211, %parallel_loop3A_213 : vector<16xf32>
        tpu.vector_store_idx %arg13[%add3A_15, %parallel_loop3A_182], %parallel_loop3A_214 : memref<64x129xf32, #tpu.memory_space<vmem>>[vector<16xi32>, vector<16xi32>], vector<16xf32>,
      } {sc.loop_unroll_factor = 4 : i64, sc.parallel_access}
      %scan3A_173 = arith.constant 0 : i32
      %scan3A_174 = arith.constant 8 : i32
      %scan3A_175 = arith.addi %scan3A_173, %scan3A_174 : i32
      %scan3A_176 = arith.constant 2 : i32
      scf.for %scan3A_178 = %scan3A_173 to %scan3A_175 step %scan3A_176  : i32 {
        %mul3A_179 = arith.constant 1 : i32
        %mul3A_180 = arith.muli %scan3A_178, %mul3A_179 : i32
        %add3A_181 = arith.constant 0 : i32
        %add3A_182 = arith.addi %add3A_181, %mul3A_180 : i32
        %mul3A_183 = arith.constant 8 : i32
        %mul3A_184 = arith.muli %add3A_182, %mul3A_183 : i32
        %dma_start3A_185 = arith.constant 0 : i32
        %dma_start3A_186 = tpu.memref_slice %arg13[%mul3A_184, %dma_start3A_185] : memref<64x129xf32, #tpu.memory_space<vmem>> -> memref<8x128xf32, #tpu.memory_space<vmem>>
        %dma_start3A_187 = arith.constant 0 : i32
        %dma_start3A_188 = arith.constant 0 : i32
        %dma_start3A_189 = tpu.memref_slice %arg4[%add3A_149, %add3A_182, %add3A, %dma_start3A_187, %dma_start3A_188] : memref<200x8x32x8x128xf32, #tpu.memory_space<hbm>> -> memref<1x1x1x8x128xf32, #tpu.memory_space<hbm>>
        %dma_start3A_190 = tpu.memref_squeeze %dma_start3A_189 : memref<1x1x1x8x128xf32, #tpu.memory_space<hbm>> -> memref<8x128xf32, #tpu.memory_space<hbm>>
        %dma_start3A_191 = arith.constant 0 : i32
        %dma_start3A_192 = arith.constant 0 : i32
        %dma_start3A_193 = tpu.memref_slice %arg4[%add3A_149, %add3A_182, %add3A, %dma_start3A_191, %dma_start3A_192] : memref<200x8x32x8x128xf32, #tpu.memory_space<hbm>> -> memref<1x1x1x8x128xf32, #tpu.memory_space<hbm>>
        %dma_start3A_194 = tpu.memref_squeeze %dma_start3A_193 : memref<1x1x1x8x128xf32, #tpu.memory_space<hbm>> -> memref<8x128xf32, #tpu.memory_space<hbm>>
        %dma_start3A_195 = arith.constant 0 : i32
        %dma_start3A_196 = tpu.memref_slice %arg13[%mul3A_184, %dma_start3A_195] : memref<64x129xf32, #tpu.memory_space<vmem>> -> memref<8x128xf32, #tpu.memory_space<vmem>>
        tpu.enqueue_dma source(%dma_start3A_196 : memref<8x128xf32, #tpu.memory_space<vmem>>) target(%dma_start3A_194 : memref<8x128xf32, #tpu.memory_space<hbm>>) target_semaphore(%arg21 : memref<!tpu.dma_semaphore, #tpu.memory_space<semaphore_mem>>)
        %scan3A_197 = arith.constant 1 : i32
        %scan3A_198 = arith.addi %scan3A_178, %scan3A_197 : i32
        %mul3A_199 = arith.constant 1 : i32
        %mul3A_200 = arith.muli %scan3A_198, %mul3A_199 : i32
        %add3A_201 = arith.constant 0 : i32
        %add3A_202 = arith.addi %add3A_201, %mul3A_200 : i32
        %mul3A_203 = arith.constant 8 : i32
        %mul3A_204 = arith.muli %add3A_202, %mul3A_203 : i32
        %dma_start3A_205 = arith.constant 0 : i32
        %dma_start3A_206 = tpu.memref_slice %arg13[%mul3A_204, %dma_start3A_205] : memref<64x129xf32, #tpu.memory_space<vmem>> -> memref<8x128xf32, #tpu.memory_space<vmem>>
        %dma_start3A_207 = arith.constant 0 : i32
        %dma_start3A_208 = arith.constant 0 : i32
        %dma_start3A_209 = tpu.memref_slice %arg4[%add3A_149, %add3A_202, %add3A, %dma_start3A_207, %dma_start3A_208] : memref<200x8x32x8x128xf32, #tpu.memory_space<hbm>> -> memref<1x1x1x8x128xf32, #tpu.memory_space<hbm>>
        %dma_start3A_210 = tpu.memref_squeeze %dma_start3A_209 : memref<1x1x1x8x128xf32, #tpu.memory_space<hbm>> -> memref<8x128xf32, #tpu.memory_space<hbm>>
        %dma_start3A_211 = arith.constant 0 : i32
        %dma_start3A_212 = arith.constant 0 : i32
        %dma_start3A_213 = tpu.memref_slice %arg4[%add3A_149, %add3A_202, %add3A, %dma_start3A_211, %dma_start3A_212] : memref<200x8x32x8x128xf32, #tpu.memory_space<hbm>> -> memref<1x1x1x8x128xf32, #tpu.memory_space<hbm>>
        %dma_start3A_214 = tpu.memref_squeeze %dma_start3A_213 : memref<1x1x1x8x128xf32, #tpu.memory_space<hbm>> -> memref<8x128xf32, #tpu.memory_space<hbm>>
        %dma_start3A_215 = arith.constant 0 : i32
        %dma_start3A_216 = tpu.memref_slice %arg13[%mul3A_204, %dma_start3A_215] : memref<64x129xf32, #tpu.memory_space<vmem>> -> memref<8x128xf32, #tpu.memory_space<vmem>>
        tpu.enqueue_dma source(%dma_start3A_216 : memref<8x128xf32, #tpu.memory_space<vmem>>) target(%dma_start3A_214 : memref<8x128xf32, #tpu.memory_space<hbm>>) target_semaphore(%arg21 : memref<!tpu.dma_semaphore, #tpu.memory_space<semaphore_mem>>)
      }
      %scan3A_177 = arith.constant 8 : i32
    }
    %scan3A_39 = arith.constant 50 : i32
    %scan3A_40 = arith.constant 0 : i32
    %scan3A_41 = arith.constant 8 : i32
    %scan3A_42 = arith.addi %scan3A_40, %scan3A_41 : i32
    %scan3A_43 = arith.constant 1 : i32
    scf.for %scan3A_60 = %scan3A_40 to %scan3A_42 step %scan3A_43  : i32 {
      %mul3A_61 = arith.constant 1 : i32
      %mul3A_62 = arith.muli %scan3A_60, %mul3A_61 : i32
      %add3A_63 = arith.constant 0 : i32
      %add3A_64 = arith.addi %add3A_63, %mul3A_62 : i32
      %dma_wait3A = arith.constant 0 : i32
      %dma_wait3A_65 = arith.constant 0 : i32
      %dma_wait3A_66 = arith.constant 0 : i32
      %dma_wait3A_67 = arith.constant 0 : i32
      %dma_wait3A_68 = arith.constant 0 : i32
      %dma_wait3A_69 = tpu.memref_slice %arg10[%dma_wait3A_67, %dma_wait3A_68] : memref<64x129xf32, #tpu.memory_space<vmem>> -> memref<8x128xf32, #tpu.memory_space<vmem>>
      %dma_wait3A_70 = arith.constant 0 : i32
      %dma_wait3A_71 = arith.constant 0 : i32
      %dma_wait3A_72 = tpu.memref_slice %arg4[%dma_wait3A, %dma_wait3A_65, %dma_wait3A_66, %dma_wait3A_70, %dma_wait3A_71] : memref<200x8x32x8x128xf32, #tpu.memory_space<hbm>> -> memref<1x1x1x8x128xf32, #tpu.memory_space<hbm>>
      %dma_wait3A_73 = tpu.memref_squeeze %dma_wait3A_72 : memref<1x1x1x8x128xf32, #tpu.memory_space<hbm>> -> memref<8x128xf32, #tpu.memory_space<hbm>>
      %dma_wait3A_74 = arith.constant 0 : i32
      %dma_wait3A_75 = arith.constant 0 : i32
      %dma_wait3A_76 = tpu.memref_slice %arg4[%dma_wait3A, %dma_wait3A_65, %dma_wait3A_66, %dma_wait3A_74, %dma_wait3A_75] : memref<200x8x32x8x128xf32, #tpu.memory_space<hbm>> -> memref<1x1x1x8x128xf32, #tpu.memory_space<hbm>>
      %dma_wait3A_77 = tpu.memref_squeeze %dma_wait3A_76 : memref<1x1x1x8x128xf32, #tpu.memory_space<hbm>> -> memref<8x128xf32, #tpu.memory_space<hbm>>
      %dma_wait3A_78 = arith.constant 0 : i32
      %dma_wait3A_79 = arith.constant 0 : i32
      %dma_wait3A_80 = tpu.memref_slice %arg10[%dma_wait3A_78, %dma_wait3A_79] : memref<64x129xf32, #tpu.memory_space<vmem>> -> memref<8x128xf32, #tpu.memory_space<vmem>>
      tpu.wait_dma2 semaphore(%arg18 : memref<!tpu.dma_semaphore, #tpu.memory_space<semaphore_mem>>) src(%dma_wait3A_80 : memref<8x128xf32, #tpu.memory_space<vmem>>) dst(%dma_wait3A_77 : memref<8x128xf32, #tpu.memory_space<hbm>>)
    }
    %scan3A_44 = arith.constant 8 : i32
    %scan3A_45 = arith.constant 0 : i32
    %scan3A_46 = arith.constant 8 : i32
    %scan3A_47 = arith.addi %scan3A_45, %scan3A_46 : i32
    %scan3A_48 = arith.constant 1 : i32
    scf.for %scan3A_60 = %scan3A_45 to %scan3A_47 step %scan3A_48  : i32 {
      %mul3A_61 = arith.constant 1 : i32
      %mul3A_62 = arith.muli %scan3A_60, %mul3A_61 : i32
      %add3A_63 = arith.constant 0 : i32
      %add3A_64 = arith.addi %add3A_63, %mul3A_62 : i32
      %dma_wait3A = arith.constant 0 : i32
      %dma_wait3A_65 = arith.constant 0 : i32
      %dma_wait3A_66 = arith.constant 0 : i32
      %dma_wait3A_67 = arith.constant 0 : i32
      %dma_wait3A_68 = arith.constant 0 : i32
      %dma_wait3A_69 = tpu.memref_slice %arg11[%dma_wait3A_67, %dma_wait3A_68] : memref<64x129xf32, #tpu.memory_space<vmem>> -> memref<8x128xf32, #tpu.memory_space<vmem>>
      %dma_wait3A_70 = arith.constant 0 : i32
      %dma_wait3A_71 = arith.constant 0 : i32
      %dma_wait3A_72 = tpu.memref_slice %arg4[%dma_wait3A, %dma_wait3A_65, %dma_wait3A_66, %dma_wait3A_70, %dma_wait3A_71] : memref<200x8x32x8x128xf32, #tpu.memory_space<hbm>> -> memref<1x1x1x8x128xf32, #tpu.memory_space<hbm>>
      %dma_wait3A_73 = tpu.memref_squeeze %dma_wait3A_72 : memref<1x1x1x8x128xf32, #tpu.memory_space<hbm>> -> memref<8x128xf32, #tpu.memory_space<hbm>>
      %dma_wait3A_74 = arith.constant 0 : i32
      %dma_wait3A_75 = arith.constant 0 : i32
      %dma_wait3A_76 = tpu.memref_slice %arg4[%dma_wait3A, %dma_wait3A_65, %dma_wait3A_66, %dma_wait3A_74, %dma_wait3A_75] : memref<200x8x32x8x128xf32, #tpu.memory_space<hbm>> -> memref<1x1x1x8x128xf32, #tpu.memory_space<hbm>>
      %dma_wait3A_77 = tpu.memref_squeeze %dma_wait3A_76 : memref<1x1x1x8x128xf32, #tpu.memory_space<hbm>> -> memref<8x128xf32, #tpu.memory_space<hbm>>
      %dma_wait3A_78 = arith.constant 0 : i32
      %dma_wait3A_79 = arith.constant 0 : i32
      %dma_wait3A_80 = tpu.memref_slice %arg11[%dma_wait3A_78, %dma_wait3A_79] : memref<64x129xf32, #tpu.memory_space<vmem>> -> memref<8x128xf32, #tpu.memory_space<vmem>>
      tpu.wait_dma2 semaphore(%arg19 : memref<!tpu.dma_semaphore, #tpu.memory_space<semaphore_mem>>) src(%dma_wait3A_80 : memref<8x128xf32, #tpu.memory_space<vmem>>) dst(%dma_wait3A_77 : memref<8x128xf32, #tpu.memory_space<hbm>>)
    }
    %scan3A_49 = arith.constant 8 : i32
    %scan3A_50 = arith.constant 0 : i32
    %scan3A_51 = arith.constant 8 : i32
    %scan3A_52 = arith.addi %scan3A_50, %scan3A_51 : i32
    %scan3A_53 = arith.constant 1 : i32
    scf.for %scan3A_60 = %scan3A_50 to %scan3A_52 step %scan3A_53  : i32 {
      %mul3A_61 = arith.constant 1 : i32
      %mul3A_62 = arith.muli %scan3A_60, %mul3A_61 : i32
      %add3A_63 = arith.constant 0 : i32
      %add3A_64 = arith.addi %add3A_63, %mul3A_62 : i32
      %dma_wait3A = arith.constant 0 : i32
      %dma_wait3A_65 = arith.constant 0 : i32
      %dma_wait3A_66 = arith.constant 0 : i32
      %dma_wait3A_67 = arith.constant 0 : i32
      %dma_wait3A_68 = arith.constant 0 : i32
      %dma_wait3A_69 = tpu.memref_slice %arg12[%dma_wait3A_67, %dma_wait3A_68] : memref<64x129xf32, #tpu.memory_space<vmem>> -> memref<8x128xf32, #tpu.memory_space<vmem>>
      %dma_wait3A_70 = arith.constant 0 : i32
      %dma_wait3A_71 = arith.constant 0 : i32
      %dma_wait3A_72 = tpu.memref_slice %arg4[%dma_wait3A, %dma_wait3A_65, %dma_wait3A_66, %dma_wait3A_70, %dma_wait3A_71] : memref<200x8x32x8x128xf32, #tpu.memory_space<hbm>> -> memref<1x1x1x8x128xf32, #tpu.memory_space<hbm>>
      %dma_wait3A_73 = tpu.memref_squeeze %dma_wait3A_72 : memref<1x1x1x8x128xf32, #tpu.memory_space<hbm>> -> memref<8x128xf32, #tpu.memory_space<hbm>>
      %dma_wait3A_74 = arith.constant 0 : i32
      %dma_wait3A_75 = arith.constant 0 : i32
      %dma_wait3A_76 = tpu.memref_slice %arg4[%dma_wait3A, %dma_wait3A_65, %dma_wait3A_66, %dma_wait3A_74, %dma_wait3A_75] : memref<200x8x32x8x128xf32, #tpu.memory_space<hbm>> -> memref<1x1x1x8x128xf32, #tpu.memory_space<hbm>>
      %dma_wait3A_77 = tpu.memref_squeeze %dma_wait3A_76 : memref<1x1x1x8x128xf32, #tpu.memory_space<hbm>> -> memref<8x128xf32, #tpu.memory_space<hbm>>
      %dma_wait3A_78 = arith.constant 0 : i32
      %dma_wait3A_79 = arith.constant 0 : i32
      %dma_wait3A_80 = tpu.memref_slice %arg12[%dma_wait3A_78, %dma_wait3A_79] : memref<64x129xf32, #tpu.memory_space<vmem>> -> memref<8x128xf32, #tpu.memory_space<vmem>>
      tpu.wait_dma2 semaphore(%arg20 : memref<!tpu.dma_semaphore, #tpu.memory_space<semaphore_mem>>) src(%dma_wait3A_80 : memref<8x128xf32, #tpu.memory_space<vmem>>) dst(%dma_wait3A_77 : memref<8x128xf32, #tpu.memory_space<hbm>>)
    }
    %scan3A_54 = arith.constant 8 : i32
    %scan3A_55 = arith.constant 0 : i32
    %scan3A_56 = arith.constant 8 : i32
    %scan3A_57 = arith.addi %scan3A_55, %scan3A_56 : i32
    %scan3A_58 = arith.constant 1 : i32
    scf.for %scan3A_60 = %scan3A_55 to %scan3A_57 step %scan3A_58  : i32 {
      %mul3A_61 = arith.constant 1 : i32
      %mul3A_62 = arith.muli %scan3A_60, %mul3A_61 : i32
      %add3A_63 = arith.constant 0 : i32
      %add3A_64 = arith.addi %add3A_63, %mul3A_62 : i32
      %dma_wait3A = arith.constant 0 : i32
      %dma_wait3A_65 = arith.constant 0 : i32
      %dma_wait3A_66 = arith.constant 0 : i32
      %dma_wait3A_67 = arith.constant 0 : i32
      %dma_wait3A_68 = arith.constant 0 : i32
      %dma_wait3A_69 = tpu.memref_slice %arg13[%dma_wait3A_67, %dma_wait3A_68] : memref<64x129xf32, #tpu.memory_space<vmem>> -> memref<8x128xf32, #tpu.memory_space<vmem>>
      %dma_wait3A_70 = arith.constant 0 : i32
      %dma_wait3A_71 = arith.constant 0 : i32
      %dma_wait3A_72 = tpu.memref_slice %arg4[%dma_wait3A, %dma_wait3A_65, %dma_wait3A_66, %dma_wait3A_70, %dma_wait3A_71] : memref<200x8x32x8x128xf32, #tpu.memory_space<hbm>> -> memref<1x1x1x8x128xf32, #tpu.memory_space<hbm>>
      %dma_wait3A_73 = tpu.memref_squeeze %dma_wait3A_72 : memref<1x1x1x8x128xf32, #tpu.memory_space<hbm>> -> memref<8x128xf32, #tpu.memory_space<hbm>>
      %dma_wait3A_74 = arith.constant 0 : i32
      %dma_wait3A_75 = arith.constant 0 : i32
      %dma_wait3A_76 = tpu.memref_slice %arg4[%dma_wait3A, %dma_wait3A_65, %dma_wait3A_66, %dma_wait3A_74, %dma_wait3A_75] : memref<200x8x32x8x128xf32, #tpu.memory_space<hbm>> -> memref<1x1x1x8x128xf32, #tpu.memory_space<hbm>>
      %dma_wait3A_77 = tpu.memref_squeeze %dma_wait3A_76 : memref<1x1x1x8x128xf32, #tpu.memory_space<hbm>> -> memref<8x128xf32, #tpu.memory_space<hbm>>
      %dma_wait3A_78 = arith.constant 0 : i32
      %dma_wait3A_79 = arith.constant 0 : i32
      %dma_wait3A_80 = tpu.memref_slice %arg13[%dma_wait3A_78, %dma_wait3A_79] : memref<64x129xf32, #tpu.memory_space<vmem>> -> memref<8x128xf32, #tpu.memory_space<vmem>>
      tpu.wait_dma2 semaphore(%arg21 : memref<!tpu.dma_semaphore, #tpu.memory_space<semaphore_mem>>) src(%dma_wait3A_80 : memref<8x128xf32, #tpu.memory_space<vmem>>) dst(%dma_wait3A_77 : memref<8x128xf32, #tpu.memory_space<hbm>>)
    }
    %scan3A_59 = arith.constant 8 : i32
    return
  }
}

module attributes {stable_mosaic.version = 14 : i64} {
  func.func @body(%arg0: i32, %arg1: memref<64x16384xf32, #tpu.memory_space<vmem>>, %arg2: memref<8192x128xf32, #tpu.memory_space<vmem>>) attributes {dimension_semantics = [#tpu.dimension_semantics<parallel>], iteration_bounds = array<i64: 62>, scalar_prefetch = 0 : i64, scratch_operands = 0 : i64, tpu.core_type = #tpu.core_type<tc>, window_params = [{transform_indices = @transform_0, window_bounds = array<i64: 64, 16384>}, {transform_indices = @transform_1, window_bounds = array<i64: 8192, 128>}]} {
    %get3A = arith.constant 0 : index
    %get3A_0 = arith.constant 0 : index
    %get3A_1 = vector.load %arg1[%get3A, %get3A_0] : memref<64x16384xf32, #tpu.memory_space<vmem>>, vector<64x16384xf32>
    %transpose3A = tpu.transpose %get3A_1, [1, 0] : vector<64x16384xf32> -> vector<16384x64xf32>
    %slice3A = vector.extract_strided_slice %transpose3A {offsets = [0, 0], sizes = [8192, 64], strides = [1, 1]} : vector<16384x64xf32> to vector<8192x64xf32>
    %swap3A = arith.constant 0 : index
    %swap3A_2 = arith.constant 0 : index
    %swap3A_3 = vector.load %arg2[%swap3A, %swap3A_2] : memref<8192x128xf32, #tpu.memory_space<vmem>>, vector<8192x64xf32>
    tpu.vector_store %arg2[%swap3A, %swap3A_2], %slice3A {strides = array<i32>} : memref<8192x128xf32, #tpu.memory_space<vmem>>, vector<8192x64xf32>,
    %slice3A_4 = vector.extract_strided_slice %transpose3A {offsets = [8192, 0], sizes = [8192, 64], strides = [1, 1]} : vector<16384x64xf32> to vector<8192x64xf32>
    %swap3A_5 = arith.constant 0 : index
    %swap3A_6 = arith.constant 64 : index
    %swap3A_7 = vector.load %arg2[%swap3A_5, %swap3A_6] : memref<8192x128xf32, #tpu.memory_space<vmem>>, vector<8192x64xf32>
    tpu.vector_store %arg2[%swap3A_5, %swap3A_6], %slice3A_4 {strides = array<i32>} : memref<8192x128xf32, #tpu.memory_space<vmem>>, vector<8192x64xf32>,
    return
  }
  func.func @transform_0(%arg0: i32) -> (i32, i32) {
    %c0_i32 = arith.constant 0 : i32
    %c0_i32_0 = arith.constant 0 : i32
    return %c0_i32, %arg0 : i32, i32
  }
  func.func @transform_1(%arg0: i32) -> (i32, i32) {
    %c0_i32 = arith.constant 0 : i32
    %c0_i32_0 = arith.constant 0 : i32
    return %arg0, %c0_i32 : i32, i32
  }
}

</mosaic_0001>

<sc_bundles>
// kernel: kernel.4.cloned.1.call-start
scs
__scs_entry_jumppad:
0x0: {  	(pc) =	sbr.rel $0x88, $3  }
0x1: {  	(tag) =	ssettag $0x0;
	lr =	simm.s32 $0x1  }
0x2: {  	[smem:$0x3F9F] =	sst lr;
	_ =	strace $0xD0000000  }
0x3: {  	_ = 	snop  }
0x4: {  	_ = 	snop  }
0x5: {  	_ = 	snop  }
0x6: {  	_ = 	snop  }
0x7: {  	_ = 	snop  }
__scs_overlays_trampoline_lowered:
0x8: {  	[smem:$0x3FAE] =	sst s0  }
0x9: {  	[smem:$0x3FAF] =	sst s1  }
0xa: {  	[smem:$0x3FB0] =	sst s2  }
0xb: {  	[smem:$0x3FB1] =	sst s3  }
0xc: {  	[smem:$0x3FB2] =	sst s4  }
0xd: {  	[smem:$0x3FB3] =	sst s5  }
0xe: {  	[smem:$0x3FB4] =	sst s6  }
0xf: {  	[smem:$0x3FB5] =	sst s7  }
0x10: {  	[smem:$0x3FB6] =	sst s8  }
0x11: {  	[smem:$0x3FB7] =	sst s9;
	s0 =	simm.s32 @!p0 $0x0  }
0x12: {  	s1 =	sld [smem:$0x3F9D];
	s0 =	simm.s32 @p0 $0x1  }
0x13: {  	[smem:$0x3FB8] =	sst s0;
	s0 =	simm.s32 @!p1 $0x0  }
0x14: {  	s2 =	sld [smem:$0x3F9C];
	s0 =	simm.s32 @p1 $0x1  }
0x15: {  	[smem:$0x3FB9] =	sst s0;
	s0 =	simm.s32 @!p2 $0x0  }
0x16: {  	s3 =	sld [smem:$0x3FDB];
	s0 =	simm.s32 @p2 $0x1  }
0x17: {  	s4 =	simm.s32 $0x1BF5;
	[smem:$0x3FBB] =	sst s0  }
0x18: {  	s0 =	sld [smem:$0x3F9E];
	_ =	swait.ge [sflag:s4], $0x0  }
0x19: {  	s7 =	sld [smem:$0x3F9F]  }
0x1a: {  	s8 =	sadd.s32 $0xFFFFE003, lr  }
0x1b: {  	s9 =	sadd.s32 $0xFFFFFEF7, lr;
	s5 =	simm.s32 $0xFFFFFFFF;
	p2 =	slt.u32 s8, $0xFFFFF086  }
0x1c: {  	p1 =	slt.u32 s9, $0xF7A;
	s5 =	simm.s32 @!p2 $0x0  }
0x1d: {  	s5 =	simm.s32 @p1 $0x1;
	p0 =	seq.s32 s7, s2  }
0x1e: {  	s7 =	smul.u32 @!p0 $0xF7A, s2;
	p2 =	seq.s32 @!p0 s5, $0x0  }
0x1f: {  	s9 =	smul.u32 $0xF7A, s1;
	s8 =	simm.s32 @!p0 $0x1BF5;
	p2 =	por !p2, p0  }
0x20: {  	[sflag:s8] =	ssyncset.s32 @!p0 $0xFFFFF086;
	s6 =	sadd.s32 @!p0 s3, s7;
	s7 =	simm.s32 @!p0 $0x108  }
0x21: {  	s3 =	sadd.s32 s3, s9;
	s6 =	sadd.s32 @!p0 $0x88, s6;
	s7 =	simm.s32 @p2 $0x1082  }
0x22: {  	[simem:s7], [sflag:s8] =	dma.local @!p0 [hbm:s6], $0xF7A  }
0x23: {  	s9 =	sor.u32 $0xD0000000, s2;
	s6 =	simm.s32 $0x108;
	_ =	swait.ge @!p0 [sflag:s8], $0x0  }
0x24: {  	s3 =	sadd.s32 $0x88, s3;
	s6 =	simm.s32 @!p1 $0x1082;
	[sflag:s4] =	ssyncset.s32 $0xFFFFF086  }
0x25: {  	[simem:s6], [sflag:s4] =	dma.local [hbm:s3], $0xF7A  }
0x26: {  	[smem:$0x3F9F] =	sst s1;
	(tag) =	ssettag s2;
	_ =	strace s9  }
0x27: {  	s1 =	sld [smem:$0x3FAF]  }
0x28: {  	s2 =	sld [smem:$0x3FB0]  }
0x29: {  	s4 =	sld [smem:$0x3FB2]  }
0x2a: {  	p0 =	seq.s32 s5, $0x0;
	s5 =	sld [smem:$0x3FB3]  }
0x2b: {  	s6 =	sld [smem:$0x3FB4]  }
0x2c: {  	s7 =	sld [smem:$0x3FB5]  }
0x2d: {  	s3 =	simm.s32 $0x108;
	s8 =	sld [smem:$0x3FB6]  }
0x2e: {  	s3 =	simm.s32 @!p0 $0x1082;
	s9 =	sld [smem:$0x3FB7]  }
0x2f: {  	lr =	sadd.s32 s0, s3;
	s0 =	sld [smem:$0x3FAE]  }
0x30: {  	s3 =	sld [smem:$0x3FB1]  }
0x31: {  	[smem:$0x3FBA] =	sst s10  }
0x32: {  	s10 =	sld [smem:$0x3FB8];
	_ =	sdelay $0x3  }
0x33: {  	p0 =	seq.s32 s10, $0x1;
	s10 =	sld [smem:$0x3FBA];
	_ =	sdelay $0x3  }
0x34: {  	[smem:$0x3FBA] =	sst s10  }
0x35: {  	s10 =	sld [smem:$0x3FB9];
	_ =	sdelay $0x3  }
0x36: {  	p1 =	seq.s32 s10, $0x1;
	s10 =	sld [smem:$0x3FBA];
	_ =	sdelay $0x3  }
0x37: {  	[smem:$0x3FBA] =	sst s10  }
0x38: {  	s10 =	sld [smem:$0x3FBB]  }
0x39: {  	_ = 	snop;
	(pc) =	sbr.ind lr, $3  }
0x3a: {  	_ = 	snop  }
0x3b: {  	_ = 	snop  }
0x3c: {  	p2 =	seq.s32 s10, $0x1;
	s10 =	sld [smem:$0x3FBA]  }
0x3d: {  	_ =	shalt  }
0x3e: {  	_ =	shalt  }
0x3f: {  	_ =	shalt  }
0x40: {  	_ =	shalt  }
0x41: {  	_ =	shalt  }
0x42: {  	_ =	shalt  }
0x43: {  	_ =	shalt  }
0x44: {  	_ =	shalt  }
0x45: {  	_ =	shalt  }
0x46: {  	_ =	shalt  }
0x47: {  	_ =	shalt  }
0x48: {  	_ =	shalt  }
0x49: {  	_ =	shalt  }
0x4a: {  	_ =	shalt  }
0x4b: {  	_ =	shalt  }
0x4c: {  	_ =	shalt  }
0x4d: {  	_ =	shalt  }
0x4e: {  	_ =	shalt  }
0x4f: {  	_ =	shalt  }
0x50: {  	_ =	shalt  }
0x51: {  	_ =	shalt  }
0x52: {  	_ =	shalt  }
0x53: {  	_ =	shalt  }
0x54: {  	_ =	shalt  }
0x55: {  	_ =	shalt  }
0x56: {  	_ =	shalt  }
0x57: {  	_ =	shalt  }
0x58: {  	_ =	shalt  }
0x59: {  	_ =	shalt  }
0x5a: {  	_ =	shalt  }
0x5b: {  	_ =	shalt  }
0x5c: {  	_ =	shalt  }
0x5d: {  	_ =	shalt  }
0x5e: {  	_ =	shalt  }
0x5f: {  	_ =	shalt  }
0x60: {  	_ =	shalt  }
0x61: {  	_ =	shalt  }
0x62: {  	_ =	shalt  }
0x63: {  	_ =	shalt  }
0x64: {  	_ =	shalt  }
0x65: {  	_ =	shalt  }
0x66: {  	_ =	shalt  }
0x67: {  	_ =	shalt  }
0x68: {  	_ =	shalt  }
0x69: {  	_ =	shalt  }
0x6a: {  	_ =	shalt  }
0x6b: {  	_ =	shalt  }
0x6c: {  	_ =	shalt  }
0x6d: {  	_ =	shalt  }
0x6e: {  	_ =	shalt  }
0x6f: {  	_ =	shalt  }
0x70: {  	_ =	shalt  }
0x71: {  	_ =	shalt  }
0x72: {  	_ =	shalt  }
0x73: {  	_ =	shalt  }
0x74: {  	_ =	shalt  }
0x75: {  	_ =	shalt  }
0x76: {  	_ =	shalt  }
0x77: {  	_ =	shalt  }
0x78: {  	_ =	shalt  }
0x79: {  	_ =	shalt  }
0x7a: {  	_ =	shalt  }
0x7b: {  	_ =	shalt  }
0x7c: {  	_ =	shalt  }
0x7d: {  	_ =	shalt  }
0x7e: {  	_ =	shalt  }
0x7f: {  	_ =	shalt  }
0x80: {  	_ =	shalt  }
0x81: {  	_ =	shalt  }
0x82: {  	_ =	shalt  }
0x83: {  	_ =	shalt  }
0x84: {  	_ =	shalt  }
0x85: {  	_ =	shalt  }
0x86: {  	_ =	shalt  }
0x87: {  	_ =	shalt  }
.Lfunc_end0:
.L_simem_size_0:
called_computation_lowered:
.L_overlay_start_0:
0x88: {  	s2 =	sld [smem:$0x3FD9]  }
0x89: {  	s3 =	sld [smem:$0x3FFE];
	_ =	sdelay $0x1  }
0x8a: {  	s1 =	srdreg.scid  }
0x8b: {  	s0 =	sand.u32 $0x1, s1  }
0x8c: {  	s17 =	sshll.u32 s0, $0xA;
	s2 =	sadd.s32 s3, s2  }
0x8d: {  	s2 =	sadd.s32 s2, s17  }
0x8e: {  	[smem:$0x3FC6] =	sst s2  }
0x8f: {  	_ = 	snop  }
0x90: {  	s2 =	sld [smem:$0x3FD0];
	(tm) =	ssettm $0x1  }
0x91: {  	s18 =	sld [smem:$0x3FFB];
	_ =	sdelay $0x3  }
0x92: {  	_ =	strace s18  }
0x93: {  	s3 =	sld [smem:$0x3FFC];
	_ =	sdelay $0x3  }
0x94: {  	_ =	strace s3  }
0x95: {  	s3 =	sld [smem:$0x3FFD];
	_ =	sdelay $0x3  }
0x96: {  	_ =	strace s3  }
0x97: {  	_ =	strace $0x8FFFFFFF  }
0x98: {  	s19 =	sld [smem:$0x3FDB];
	_ =	sdelay $0x1  }
0x99: {  	s4 =	simm.s32 $_scs_section_size  }
0x9a: {  	s5 =	simm.s32 $_size__tile_overlayer_lowered;
	s6 =	simm.s32 $_tile_overlayer_lowered  }
0x9b: {  	s22 =	simm.s32 $0x1BFF;
	s21 =	sshll.u32 s6, $0x1;
	s3 =	sadd.s32 s4, s19  }
0x9c: {  	s7 =	simm.s32 $0x0;
	s20 =	sshll.u32 s5, $0x1;
	s5 =	sadd.s32 s21, s3  }
0x9d: {  	[timem:s7], [sflag:s22] =	dma.local [hbm:s5], s20  }
0x9e: {  	_ =	swait.ge [sflag:s22], s20  }
0x9f: {  	s4 =	ssub.s32 $0x0, s20;
	[sflag:s22] =	ssyncset.done $0x0  }
0xa0: {  	[sflag:s22] =	ssyncadd.s32 s4;
	_ =	sdelay $0x1  }
0xa1: {  	s23 =	simm.s32 $0x1B8B  }
0xa2: {  	_ =	swait.ge [sflag:s23], $0x1  }
0xa3: {  	[sflag:s23] =	ssyncset.done $0x0  }
0xa4: {  	s25 =	simm.s32 $0x1B8E;
	s24 =	sld [smem:$0x3FFE];
	[sflag:s23] =	ssyncadd.s32 $0xFFFFFFFF  }
0xa5: {  	s26 =	simm.s32 $execute0_lowered;
	[smem:$0x3FD2] =	sst s25  }
0xa6: {  	s5 =	sshll.u32 s26, $0x1;
	_ =	strace $0x80000046;
	[dreg:$0x1] =	wrdreg $0xFFFFFFFF  }
0xa7: {  	s28 =	simm.s32 $_size_execute0_lowered;
	s3 =	sadd.s32 s3, s5;
	[dreg:$0x0] =	wrdreg $0x0  }
0xa8: {  	s5 =	sshll.u32 s28, $0x1;
	[dreg:$0x2] =	wrdreg s3  }
0xa9: {  	[dreg:$0x3] =	wrdreg s5  }
0xaa: {  	[dreg:$0x4] =	wrdreg $0xC0  }
0xab: {  	_ =	task [dreg:s7], $0x5FFFF  }
0xac: {  	[dreg:$0x1] =	wrdreg $0xFFFFFFFF  }
0xad: {  	[dreg:$0x0] =	wrdreg $0x60  }
0xae: {  	[dreg:$0x2] =	wrdreg s24  }
0xaf: {  	[dreg:$0x3] =	wrdreg s2  }
0xb0: {  	[dreg:$0x4] =	wrdreg $0x9  }
0xb1: {  	_ =	task.clear_ibuf [dreg:s7], $0x5FFFF;
	_ =	strace $0x90000046  }
0xb2: {  	s29 =	simm.s32 $0x9;
	_ =	strace $0x80000048  }
0xb3: {  	_ =	swait.ge [sflag:s29], $0x1  }
0xb4: {  	[sflag:s29] =	ssyncadd.s32 $0xFFFFFFFF  }
0xb5: {  	_ =	strace $0x90000048  }
0xb6: {  	_ =	sfence  }
0xb7: {  	s30 =	sld [smem:$0x0];
	_ =	sdelay $0x2  }
0xb8: {  	s31 =	sshll.u32 s1, $0xD;
	s1 =	sshrl.u32 s1, $0x2  }
0xb9: {  	s3 =	sand.u32 $0x4000, s31;
	s1 =	sadd.s32 s1, s30  }
0xba: {  	s0 =	sor.u32 s3, s0;
	s1 =	sshll.u32 s1, $0x11  }
0xbb: {  	s0 =	sor.u32 s1, s0  }
0xbc: {  	s0 =	sadd.s32 $0x8F2B, s0  }
0xbd: {  	[sflag:s0] =	ssyncadd.remote.s32 $0x1  }
0xbe: {  	_ =	sfence.sel $0xFFFF  }
0xbf: {  	[dreg:$0x0] =	wrdreg $0xFFFFFFFF;
	(pc) =	sbr.abs _section_cstart, $3  }
0xc0: {  	[dreg:$0x1] =	wrdreg $0xFFFFFFFF  }
0xc1: {  	_ =	task.clear_ibuf [dreg:s7], $0x2FFFF;
	_ =	strace $0x9FFFFFFF  }
0xc2: {  	(tm) =	ssettm $0x7FFFFFFF  }
0xc3: {  	_ =	shalt  }
tec
execute0_lowered:
.L_overlay_start_1:
0x0: {  	(tag) =	ssettag $0x1  }
0x1: {  	s0 =	rddreg [dreg:$0x0]  }
0x2: {  	s1 =	rddreg [dreg:$0x1];
	s3 =	srdreg.scid;
	s2 =	simm.s32 $0x0  }
0x3: {  	s6 =	stileid.u32;
	s28 =	simm.s32 $0x3;
	s29 =	simm.s32 $0x7  }
0x4: {  	s30 =	simm.s32 $0x12800;
	s31 =	simm.s32 $0x4;
	s3 =	sand.u32 $0x1, s3  }
0x5: {  	[smem:$0x7FF] =	sst s2;
	s4 =	sshll.u32 s6, $0x5;
	s6 =	sshll.u32 s6, $0xB  }
0x6: {  	s5 =	sshll.u32 s3, $0x4;
	_ =	strace $0x80000047;
	s10 =	ssub.s32 $0x2, s3  }
0x7: {  	s3 =	sshll.u32 s3, $0xA;
	s4 =	sor.u32 s5, s4;
	s7 =	sshrl.u32 s10, $0x1  }
0x8: {  	s6 =	sor.u32 s3, s6;
	s3 =	sadd.s32 $0x19400, s0;
	s4 =	sadd.s32 s4, s0  }
0x9: {  	s11 =	ssub.s32 s10, s7;
	s12 =	sor.u32 $0x8000, s6;
	s14 =	sshrl.u32 s6, $0x3  }
0xa: {  	s17 =	sor.u32 $0x48000, s6;
	s18 =	sor.u32 $0x40000, s6;
	s19 =	sor.u32 $0x88000, s6  }
0xb: {  	s22 =	sor.u32 $0x80000, s6;
	s23 =	sor.u32 $0xC8000, s6;
	s24 =	sor.u32 $0xC0000, s6  }
0xc: {  	s4 =	sadd.s32 $0x400, s4;
	s13 =	sshrl.u32 s12, $0x3;
	s0 =	smax.u32 s11, $0x1  }
0xd: {  	s16 =	sadd.s32 s14, s1;
	s5 =	sshrl.u32 s19, $0x3;
	[dreg:$0x3] =	wrdreg s4  }
0xe: {  	s14 =	simm.s32 $0x80;
	[dreg:$0x4] =	wrdreg s0;
	s15 =	sadd.s32 s13, s1  }
0xf: {  	[dreg:$0x6] =	wrdreg s16;
	s0 =	sshrl.u32 s17, $0x3;
	s4 =	sshrl.u32 s18, $0x3  }
0x10: {  	s21 =	sadd.s32 s5, s1;
	s5 =	sshrl.u32 s24, $0x3;
	s24 =	simm.s32 $0x2  }
0x11: {  	[dreg:$0x5] =	wrdreg s15;
	s0 =	sadd.s32 s0, s1;
	s20 =	sadd.s32 s4, s1  }
0x12: {  	[dreg:$0x9] =	wrdreg s21;
	s4 =	sshrl.u32 s23, $0x3;
	s26 =	sadd.s32 s5, s1  }
0x13: {  	s23 =	simm.s32 $0xE400;
	s5 =	simm.s32 $0x0;
	[dreg:$0x7] =	wrdreg s0  }
0x14: {  	v0 =	vlaneseq.u32;
	[dreg:$0x8] =	wrdreg s20;
	s0 =	sshrl.u32 s22, $0x3;
	s25 =	sadd.s32 s4, s1  }
0x15: {  	v0 =	vmul.u32 $0x88, v0;
	[dreg:$0xc] =	wrdreg s26;
	s22 =	simm.s32 $0x1;
	s26 =	simm.s32 $0x10600  }
0x16: {  	s0 =	sadd.s32 s0, s1;
	[dreg:$0xb] =	wrdreg s25;
	s25 =	simm.s32 $0x6  }
0x17: {  	v1 =	vadd.s32 $0x880, v0;
	v2 =	vadd.s32 $0x1100, v0;
	v3 =	vadd.s32 $0x1980, v0;
	s1 =	simm.s32 $0x14A00;
	[dreg:$0xa] =	wrdreg s0;
	s0 =	simm.s32 $0x8  }
.LBB2_1:
0x18: {  	[dreg:$0xd] =	wrdreg s5  }
0x19: {  	s4 =	rddreg [dreg:$0x3];
	s16 =	simm.s32 $0x1000;
	s17 =	simm.s32 $0x9  }
0x1a: {  	[tilespmem:s2], [sflag:$0x9] =	stream.strided.gather [hbm4b:s4+s14], $0x6400, s16, s14, $0x38;
	[tilespmem:$0x16C00] =	vst v63  }
0x1b: {  	_ =	swait.ge [sflag:s17], $0x6400  }
0x1c: {  	s13 =	rddreg [dreg:$0xc]  }
0x1d: {  	s12 =	rddreg [dreg:$0xb]  }
0x1e: {  	s11 =	rddreg [dreg:$0xa]  }
0x1f: {  	s10 =	rddreg [dreg:$0x9]  }
0x20: {  	[sflag:s17] =	ssyncset.done $0x0;
	s9 =	rddreg [dreg:$0x8]  }
0x21: {  	s18 =	simm.s32 $0x6400;
	s8 =	rddreg [dreg:$0x7];
	[sflag:s17] =	ssyncadd.s32 $0xFFFF9C00  }
0x22: {  	[tilespmem:s18], [sflag:$0x1] =	stream.indirect.gather [hbm4b:s3+s14], $0x40, s2, s14, $0xb8;
	[tilespmem:$0x16C00] =	vst v63  }
0x23: {  	s19 =	simm.s32 $0x8400;
	s20 =	simm.s32 $0x100;
	s7 =	rddreg [dreg:$0x6]  }
0x24: {  	[tilespmem:s19], [sflag:$0x2] =	stream.indirect.gather [hbm4b:s3+s14], $0x40, s14, s14, $0xb8;
	[tilespmem:$0x16C00] =	vst v63  }
0x25: {  	s21 =	simm.s32 $0xA400;
	s5 =	simm.s32 $0x0;
	s6 =	rddreg [dreg:$0x5]  }
0x26: {  	[tilespmem:s21], [sflag:$0x3] =	stream.indirect.gather [hbm4b:s3+s14], $0x40, s20, s14, $0xb8;
	[tilespmem:$0x16C00] =	vst v63  }
.LBB2_2:
0x27: {  	s4 =	sshll.u32 s5, $0x9  }
0x28: {  	s15 =	sor.u32 $0x180, s4  }
0x29: {  	s16 =	simm.s32 $0xC400;
	s15 =	sand.u32 $0x3FFFFF80, s15  }
0x2a: {  	[tilespmem:s16], [sflag:$0x4] =	stream.indirect.gather [hbm4b:s3+s14], $0x40, s15, s14, $0xb8;
	[tilespmem:$0x16C00] =	vst v63  }
0x2b: {  	_ =	swait.ge [sflag:s22], $0x2000  }
0x2c: {  	p0 =	sne.s32 s5, $0x0;
	[sflag:s22] =	ssyncset.done $0x0  }
0x2d: {  	s15 =	simm.s32 @p0 $0x5;
	[sflag:s22] =	ssyncadd.s32 $0xFFFFE000  }
0x2e: {  	_ =	swait.ge @p0 [sflag:s15], $0x400  }
0x2f: {  	[sflag:s15] =	ssyncset.done @p0 $0x0  }
0x30: {  	[sflag:s15] =	ssyncadd.s32 @p0 $0xFFFFFC00  }
0x31: {  	_ =	swait.ge @p0 [sflag:s15], $0x400  }
0x32: {  	[sflag:s15] =	ssyncset.done @p0 $0x0  }
0x33: {  	[sflag:s15] =	ssyncadd.s32 @p0 $0xFFFFFC00  }
0x34: {  	_ =	swait.ge @p0 [sflag:s15], $0x400  }
0x35: {  	[sflag:s15] =	ssyncset.done @p0 $0x0  }
0x36: {  	[sflag:s15] =	ssyncadd.s32 @p0 $0xFFFFFC00  }
0x37: {  	_ =	swait.ge @p0 [sflag:s15], $0x400  }
0x38: {  	[sflag:s15] =	ssyncset.done @p0 $0x0  }
0x39: {  	[sflag:s15] =	ssyncadd.s32 @p0 $0xFFFFFC00  }
0x3a: {  	_ =	swait.ge @p0 [sflag:s15], $0x400  }
0x3b: {  	[sflag:s15] =	ssyncset.done @p0 $0x0  }
0x3c: {  	[sflag:s15] =	ssyncadd.s32 @p0 $0xFFFFFC00  }
0x3d: {  	_ =	swait.ge @p0 [sflag:s15], $0x400  }
0x3e: {  	[sflag:s15] =	ssyncset.done @p0 $0x0  }
0x3f: {  	[sflag:s15] =	ssyncadd.s32 @p0 $0xFFFFFC00  }
0x40: {  	_ =	swait.ge @p0 [sflag:s15], $0x400  }
0x41: {  	[sflag:s15] =	ssyncset.done @p0 $0x0  }
0x42: {  	[sflag:s15] =	ssyncadd.s32 @p0 $0xFFFFFC00  }
0x43: {  	_ =	swait.ge @p0 [sflag:s15], $0x400  }
0x44: {  	[sflag:s15] =	ssyncset.done @p0 $0x0  }
0x45: {  	s18 =	simm.s32 $0x6480;
	s16 =	simm.s32 $0x3;
	[sflag:s15] =	ssyncadd.s32 @p0 $0xFFFFFC00  }
0x46: {  	v4 =	vmov s16;
	v5 =	vld [tilespmem:s18+$0x40]  }
0x47: {  	v9 =	vand.u32 $0x7F, v4  }
0x48: {  	s17 =	simm.s32 $0x0;
	v4 =	vadd.s32 v0, v9  }
0x49: {  	s19 =	simm.s32 $0x1;
	s20 =	simm.s32 $0x2;
	v6 =	vmov s17;
	v7 =	vld [tilespmem:s18+$0xFFFFFF80]  }
0x4a: {  	v11 =	vmov s20;
	v8 =	vand.u32 $0x7C, v6;
	v6 =	vmov s19;
	v10 =	vld [tilespmem:s18+$0xFFFFFFC0]  }
0x4b: {  	v12 =	vadd.s32 v0, v8;
	v15 =	vand.u32 $0x7D, v6;
	v6 =	vld [tilespmem:s18+$0x0];
	v5 =	vmul.f32 $8.000000000e+00, v5  }
0x4c: {  	v17 =	vand.u32 $0x7E, v11;
	v13 =	vadd.s32 v0, v15  }
0x4d: {  	v11 =	vadd.s32 v0, v17;
	[tilespmem:v4+s23+$0x0] =	vst.idx.msk $0xffff, v5  }
0x4e: {  	v4 =	vmul.f32 $8.000000000e+00, v7;
	v5 =	vld [tilespmem:s18+$0x50]  }
0x4f: {  	v7 =	vmul.f32 $8.000000000e+00, v10  }
0x50: {  	[tilespmem:v12+s23+$0x0] =	vst.idx.msk $0xffff, v4;
	v4 =	vmul.f32 $8.000000000e+00, v6;
	v6 =	vadd.s32 v1, v9  }
0x51: {  	[tilespmem:v13+s23+$0x0] =	vst.idx.msk $0xffff, v7;
	v10 =	vld [tilespmem:s18+$0xFFFFFF90]  }
0x52: {  	v7 =	vld [tilespmem:s18+$0xFFFFFFD0];
	[tilespmem:v11+s23+$0x0] =	vst.idx.msk $0xffff, v4  }
0x53: {  	v11 =	vld [tilespmem:s18+$0x10];
	v4 =	vmul.f32 $8.000000000e+00, v5  }
0x54: {  	s21 =	simm.s32 $0x4;
	s17 =	simm.s32 $0x7;
	s16 =	simm.s32 $0x6580;
	v12 =	vadd.s32 v1, v15  }
0x55: {  	v14 =	vld [tilespmem:s16+$0x40];
	v13 =	vadd.s32 v1, v17;
	v5 =	vmov s21;
	[tilespmem:v6+s23+$0x0] =	vst.idx.msk $0xffff, v4;
	v6 =	vmov s17  }
0x56: {  	v16 =	vadd.s32 v1, v8;
	v4 =	vand.u32 $0x7C, v5;
	v5 =	vand.u32 $0x7F, v6;
	v18 =	vld [tilespmem:s18+$0x60]  }
0x57: {  	s19 =	simm.s32 $0x5;
	v22 =	vadd.s32 v2, v9;
	v19 =	vld [tilespmem:s16+$0xFFFFFF80];
	v6 =	vmul.f32 $8.000000000e+00, v7;
	v20 =	vadd.s32 v0, v5  }
0x58: {  	s20 =	simm.s32 $0x6;
	v21 =	vld [tilespmem:s16+$0xFFFFFFC0];
	v10 =	vmul.f32 $8.000000000e+00, v10;
	v7 =	vmul.f32 $8.000000000e+00, v11;
	v11 =	vmov s19  }
0x59: {  	v23 =	vadd.s32 v0, v4;
	[tilespmem:v12+s23+$0x0] =	vst.idx.msk $0xffff, v6;
	v12 =	vmov s20;
	v6 =	vand.u32 $0x7D, v11;
	v11 =	vld [tilespmem:s16+$0x0]  }
0x5a: {  	[tilespmem:v13+s23+$0x0] =	vst.idx.msk $0xffff, v7;
	v13 =	vadd.s32 v0, v6;
	v7 =	vand.u32 $0x7E, v12;
	v12 =	vmul.f32 $8.000000000e+00, v14;
	v14 =	vld [tilespmem:s18+$0xFFFFFFE0]  }
0x5b: {  	[tilespmem:v16+s23+$0x0] =	vst.idx.msk $0xffff, v10;
	v10 =	vadd.s32 v0, v7;
	v16 =	vld [tilespmem:s18+$0x20];
	v18 =	vmul.f32 $8.000000000e+00, v18  }
0x5c: {  	v19 =	vmul.f32 $8.000000000e+00, v19;
	[tilespmem:v20+s23+$0x0] =	vst.idx.msk $0xffff, v12;
	v12 =	vld [tilespmem:s18+$0xFFFFFFA0];
	v20 =	vadd.s32 v2, v15  }
0x5d: {  	v25 =	vadd.s32 v2, v17;
	v21 =	vmul.f32 $8.000000000e+00, v21;
	v24 =	vld [tilespmem:s16+$0x50];
	[tilespmem:v22+s23+$0x0] =	vst.idx.msk $0xffff, v18  }
0x5e: {  	[tilespmem:v23+s23+$0x0] =	vst.idx.msk $0xffff, v19;
	v19 =	vadd.s32 v2, v8;
	v11 =	vmul.f32 $8.000000000e+00, v11;
	v22 =	vld [tilespmem:s18+$0x70]  }
0x5f: {  	v23 =	vld [tilespmem:s16+$0xFFFFFF90];
	[tilespmem:v13+s23+$0x0] =	vst.idx.msk $0xffff, v21;
	v21 =	vadd.s32 v1, v5;
	v14 =	vmul.f32 $8.000000000e+00, v14  }
0x60: {  	v27 =	vadd.s32 v3, v9;
	v26 =	vld [tilespmem:s16+$0xFFFFFFD0];
	[tilespmem:v10+s23+$0x0] =	vst.idx.msk $0xffff, v11;
	v10 =	vmul.f32 $8.000000000e+00, v16  }
0x61: {  	v18 =	vadd.s32 v1, v4;
	v13 =	vld [tilespmem:s16+$0x10];
	v9 =	vmul.f32 $8.000000000e+00, v12;
	[tilespmem:v20+s23+$0x0] =	vst.idx.msk $0xffff, v14  }
0x62: {  	s17 =	simm.s32 $0x8;
	v16 =	vadd.s32 v1, v6;
	[tilespmem:v25+s23+$0x0] =	vst.idx.msk $0xffff, v10;
	v14 =	vmul.f32 $8.000000000e+00, v24;
	v12 =	vld [tilespmem:s18+$0xFFFFFFF0]  }
0x63: {  	v20 =	vmov s17;
	v10 =	vadd.s32 v1, v7;
	v11 =	vld [tilespmem:s18+$0x30];
	[tilespmem:v19+s23+$0x0] =	vst.idx.msk $0xffff, v9;
	v63 =	vmul.f32 $8.000000000e+00, v22  }
0x64: {  	s21 =	simm.s32 $0xB;
	s19 =	simm.s32 $0x6680;
	v15 =	vadd.s32 v3, v15;
	v9 =	vand.u32 $0x7C, v20;
	v20 =	vmul.f32 $8.000000000e+00, v23;
	[tilespmem:v21+s23+$0x0] =	vst.idx.msk $0xffff, v14;
	v14 =	vld [tilespmem:s18+$0xFFFFFFB0]  }
0x65: {  	v17 =	vadd.s32 v3, v17;
	v22 =	vmov s21;
	v19 =	vld [tilespmem:s19+$0x40];
	s18 =	simm.s32 $0xC;
	v21 =	vmul.f32 $8.000000000e+00, v26;
	[tilespmem:v27+s23+$0x0] =	vst.idx.msk $0xffff, v63  }
.LBB2_3:
0x66: {  	p1 =	slt.u32 s18, $0x7C;
	s15 =	sadd.s32 $0x1, s17;
	v22 =	vand.u32 $0x7F, v22;
	[tilespmem:v18+s23+$0x0] =	vst.idx.msk $0xffff, v20;
	v13 =	vmul.f32 $8.000000000e+00, v13;
	v18 =	vld [tilespmem:s16+$0x60];
	v20 =	vadd.s32 v3, v8;
	v8 =	vmovc v4  }
0x67: {  	v4 =	vmovc v9;
	v23 =	vld [tilespmem:s19+$0xFFFFFF80];
	v24 =	vmov s15;
	s15 =	sadd.s32 $0x2, s17;
	v25 =	vadd.s32 v0, v22;
	[tilespmem:v16+s23+$0x0] =	vst.idx.msk $0xffff, v21;
	v12 =	vmul.f32 $8.000000000e+00, v12;
	s17 =	smov.u32 s18  }
0x68: {  	v9 =	vld [tilespmem:s19+$0xFFFFFFC0];
	v16 =	vmov s15;
	[tilespmem:v10+s23+$0x0] =	vst.idx.msk $0xffff, v13;
	v10 =	vadd.s32 v2, v5;
	v11 =	vmul.f32 $8.000000000e+00, v11  }
0x69: {  	v13 =	vadd.s32 v0, v4;
	v21 =	vand.u32 $0x7D, v24;
	v24 =	vld [tilespmem:s19+$0x0];
	v14 =	vmul.f32 $8.000000000e+00, v14;
	[tilespmem:v15+s23+$0x0] =	vst.idx.msk $0xffff, v12  }
0x6a: {  	v12 =	vadd.s32 v0, v21;
	v26 =	vand.u32 $0x7E, v16;
	v15 =	vmul.f32 $8.000000000e+00, v19;
	v16 =	vld [tilespmem:s16+$0xFFFFFFE0];
	[tilespmem:v17+s23+$0x0] =	vst.idx.msk $0xffff, v11  }
0x6b: {  	v11 =	vadd.s32 v0, v26;
	v17 =	vld [tilespmem:s16+$0x20];
	v18 =	vmul.f32 $8.000000000e+00, v18;
	[tilespmem:v20+s23+$0x0] =	vst.idx.msk $0xffff, v14  }
0x6c: {  	v19 =	vadd.s32 v2, v6;
	v14 =	vmul.f32 $8.000000000e+00, v23;
	[tilespmem:v25+s23+$0x0] =	vst.idx.msk $0xffff, v15;
	v15 =	vld [tilespmem:s16+$0xFFFFFFA0]  }
0x6d: {  	v23 =	vadd.s32 v2, v7;
	v9 =	vmul.f32 $8.000000000e+00, v9;
	v20 =	vld [tilespmem:s19+$0x50];
	[tilespmem:v10+s23+$0x0] =	vst.idx.msk $0xffff, v18  }
0x6e: {  	[tilespmem:v13+s23+$0x0] =	vst.idx.msk $0xffff, v14;
	v10 =	vmul.f32 $8.000000000e+00, v24;
	v14 =	vadd.s32 v2, v8;
	v24 =	vld [tilespmem:s16+$0x70]  }
0x6f: {  	v27 =	vadd.s32 v1, v22;
	v25 =	vld [tilespmem:s19+$0xFFFFFF90];
	[tilespmem:v12+s23+$0x0] =	vst.idx.msk $0xffff, v9;
	v9 =	vmul.f32 $8.000000000e+00, v16  }
0x70: {  	v29 =	vadd.s32 v3, v5;
	v5 =	vmov v22;
	v28 =	vld [tilespmem:s19+$0xFFFFFFD0];
	[tilespmem:v11+s23+$0x0] =	vst.idx.msk $0xffff, v10;
	v10 =	vmul.f32 $8.000000000e+00, v17  }
.Ltmp0:
0x71: {  	v18 =	vadd.s32 v1, v4;
	v13 =	vld [tilespmem:s19+$0x10];
	v11 =	vmul.f32 $8.000000000e+00, v15;
	[tilespmem:v19+s23+$0x0] =	vst.idx.msk $0xffff, v9;
	(pc) =	sbr.rel @p1 .LBB2_3-.Ltmp0, $4  }
0x72: {  	v16 =	vadd.s32 v1, v21;
	v15 =	vmul.f32 $8.000000000e+00, v20;
	v12 =	vld [tilespmem:s16+$0xFFFFFFF0];
	[tilespmem:v23+s23+$0x0] =	vst.idx.msk $0xffff, v10  }
0x73: {  	v9 =	vmov s18;
	v10 =	vadd.s32 v1, v26;
	[tilespmem:v14+s23+$0x0] =	vst.idx.msk $0xffff, v11;
	v11 =	vld [tilespmem:s16+$0x30];
	v23 =	vmul.f32 $8.000000000e+00, v24  }
0x74: {  	s15 =	sadd.s32 $0x3, s18;
	v9 =	vand.u32 $0x7C, v9;
	v20 =	vmul.f32 $8.000000000e+00, v25;
	[tilespmem:v27+s23+$0x0] =	vst.idx.msk $0xffff, v15;
	v14 =	vld [tilespmem:s16+$0xFFFFFFB0];
	v15 =	vadd.s32 v3, v6;
	v6 =	vmovc v21;
	s16 =	smov.u32 s19;
	s19 =	sadd.s32 $0x100, s19  }
0x75: {  	v22 =	vmov s15;
	v17 =	vadd.s32 v3, v7;
	v7 =	vmovc v26;
	s18 =	sadd.s32 $0x4, s18;
	v19 =	vld [tilespmem:s19+$0x40];
	v21 =	vmul.f32 $8.000000000e+00, v28;
	[tilespmem:v29+s23+$0x0] =	vst.idx.msk $0xffff, v23  }
0x76: {  	s15 =	sadd.s32 $0x1, s17;
	v22 =	vand.u32 $0x7F, v22;
	v28 =	vld [tilespmem:s19+$0xFFFFFF80]  }
0x77: {  	s21 =	sadd.s32 $0x2, s17;
	v24 =	vld [tilespmem:s19+$0xFFFFFFC0];
	v23 =	vmov s15;
	v25 =	vadd.s32 v0, v22  }
0x78: {  	v27 =	vld [tilespmem:s19+$0x0];
	v51 =	vadd.s32 v0, v9;
	v26 =	vmov s21;
	v23 =	vand.u32 $0x7D, v23  }
0x79: {  	v26 =	vand.u32 $0x7E, v26;
	v29 =	vadd.s32 v0, v23  }
0x7a: {  	[tilespmem:v18+s23+$0x0] =	vst.idx.msk $0xffff, v20;
	v30 =	vadd.s32 v0, v26;
	v19 =	vmul.f32 $8.000000000e+00, v19  }
0x7b: {  	[tilespmem:v16+s23+$0x0] =	vst.idx.msk $0xffff, v21;
	v54 =	vmul.f32 $8.000000000e+00, v28  }
0x7c: {  	v52 =	vmul.f32 $8.000000000e+00, v24;
	[tilespmem:v25+s23+$0x0] =	vst.idx.msk $0xffff, v19  }
0x7d: {  	v53 =	vmul.f32 $8.000000000e+00, v27;
	v55 =	vld [tilespmem:s19+$0x50];
	[tilespmem:v51+s23+$0x0] =	vst.idx.msk $0xffff, v54  }
0x7e: {  	v13 =	vmul.f32 $8.000000000e+00, v13;
	v8 =	vadd.s32 v3, v8;
	[tilespmem:v29+s23+$0x0] =	vst.idx.msk $0xffff, v52;
	v59 =	vld [tilespmem:s19+$0xFFFFFF90]  }
0x7f: {  	v12 =	vmul.f32 $8.000000000e+00, v12;
	v57 =	vadd.s32 v1, v22;
	[tilespmem:v30+s23+$0x0] =	vst.idx.msk $0xffff, v53;
	v56 =	vld [tilespmem:s19+$0xFFFFFFD0]  }
0x80: {  	[tilespmem:v10+s23+$0x0] =	vst.idx.msk $0xffff, v13;
	v58 =	vmul.f32 $8.000000000e+00, v11;
	v28 =	vadd.s32 v1, v9;
	v19 =	vld [tilespmem:s19+$0x10]  }
0x81: {  	v61 =	vld [tilespmem:s16+$0x60];
	v60 =	vadd.s32 v1, v23;
	v14 =	vmul.f32 $8.000000000e+00, v14;
	[tilespmem:v15+s23+$0x0] =	vst.idx.msk $0xffff, v12  }
0x82: {  	v32 =	vld [tilespmem:s16+$0xFFFFFFA0];
	v62 =	vadd.s32 v1, v26;
	[tilespmem:v17+s23+$0x0] =	vst.idx.msk $0xffff, v58;
	v16 =	vmul.f32 $8.000000000e+00, v55  }
0x83: {  	[tilespmem:v8+s23+$0x0] =	vst.idx.msk $0xffff, v14;
	v29 =	vadd.s32 v2, v5;
	v30 =	vld [tilespmem:s16+$0x20];
	v11 =	vmul.f32 $8.000000000e+00, v59  }
0x84: {  	v38 =	vadd.s32 v2, v4;
	v63 =	vld [tilespmem:s16+$0xFFFFFFE0];
	v31 =	vmul.f32 $8.000000000e+00, v56;
	[tilespmem:v57+s23+$0x0] =	vst.idx.msk $0xffff, v16  }
0x85: {  	v35 =	vadd.s32 v2, v7;
	v34 =	vmul.f32 $8.000000000e+00, v19;
	v36 =	vld [tilespmem:s19+$0x60];
	[tilespmem:v28+s23+$0x0] =	vst.idx.msk $0xffff, v11  }
0x86: {  	v33 =	vadd.s32 v2, v6;
	v37 =	vmul.f32 $8.000000000e+00, v61;
	[tilespmem:v60+s23+$0x0] =	vst.idx.msk $0xffff, v31;
	v43 =	vld [tilespmem:s19+$0xFFFFFFA0]  }
0x87: {  	v40 =	vadd.s32 v2, v22;
	v14 =	vmul.f32 $8.000000000e+00, v32;
	[tilespmem:v62+s23+$0x0] =	vst.idx.msk $0xffff, v34;
	v39 =	vld [tilespmem:s19+$0xFFFFFFE0]  }
0x88: {  	v48 =	vadd.s32 v2, v9;
	[tilespmem:v29+s23+$0x0] =	vst.idx.msk $0xffff, v37;
	v42 =	vmul.f32 $8.000000000e+00, v30;
	v41 =	vld [tilespmem:s19+$0x20]  }
0x89: {  	v44 =	vadd.s32 v2, v23;
	v15 =	vmul.f32 $8.000000000e+00, v63;
	[tilespmem:v38+s23+$0x0] =	vst.idx.msk $0xffff, v14;
	v45 =	vld [tilespmem:s16+$0x70]  }
0x8a: {  	v46 =	vadd.s32 v2, v26;
	v14 =	vld [tilespmem:s16+$0xFFFFFFB0];
	[tilespmem:v35+s23+$0x0] =	vst.idx.msk $0xffff, v42;
	v47 =	vmul.f32 $8.000000000e+00, v36  }
0x8b: {  	v5 =	vadd.s32 v3, v5;
	[tilespmem:v33+s23+$0x0] =	vst.idx.msk $0xffff, v15;
	v49 =	vld [tilespmem:s16+$0x30];
	v53 =	vmul.f32 $8.000000000e+00, v43  }
0x8c: {  	v4 =	vadd.s32 v3, v4;
	v21 =	vld [tilespmem:s16+$0xFFFFFFF0];
	v12 =	vmul.f32 $8.000000000e+00, v39;
	[tilespmem:v40+s23+$0x0] =	vst.idx.msk $0xffff, v47  }
0x8d: {  	v52 =	vadd.s32 v3, v7;
	v51 =	vmul.f32 $8.000000000e+00, v41;
	v10 =	vld [tilespmem:s19+$0x70];
	[tilespmem:v48+s23+$0x0] =	vst.idx.msk $0xffff, v53  }
0x8e: {  	v50 =	vadd.s32 v3, v6;
	v54 =	vmul.f32 $8.000000000e+00, v45;
	[tilespmem:v44+s23+$0x0] =	vst.idx.msk $0xffff, v12;
	v59 =	vld [tilespmem:s19+$0xFFFFFFB0]  }
0x8f: {  	v57 =	vadd.s32 v3, v22;
	v14 =	vmul.f32 $8.000000000e+00, v14;
	[tilespmem:v46+s23+$0x0] =	vst.idx.msk $0xffff, v51;
	v55 =	vld [tilespmem:s19+$0xFFFFFFF0]  }
0x90: {  	v62 =	vadd.s32 v3, v9;
	[tilespmem:v5+s23+$0x0] =	vst.idx.msk $0xffff, v54;
	v5 =	vmul.f32 $8.000000000e+00, v49;
	v58 =	vld [tilespmem:s19+$0x30]  }
0x91: {  	v56 =	vmul.f32 $8.000000000e+00, v21;
	v60 =	vadd.s32 v3, v23;
	[tilespmem:v4+s23+$0x0] =	vst.idx.msk $0xffff, v14  }
0x92: {  	v61 =	vadd.s32 v3, v26;
	[tilespmem:v52+s23+$0x0] =	vst.idx.msk $0xffff, v5;
	v5 =	vmul.f32 $8.000000000e+00, v10  }
0x93: {  	[tilespmem:v50+s23+$0x0] =	vst.idx.msk $0xffff, v56;
	v63 =	vmul.f32 $8.000000000e+00, v59  }
0x94: {  	v4 =	vmul.f32 $8.000000000e+00, v55;
	[tilespmem:v57+s23+$0x0] =	vst.idx.msk $0xffff, v5  }
0x95: {  	v5 =	vmul.f32 $8.000000000e+00, v58;
	[tilespmem:v62+s23+$0x0] =	vst.idx.msk $0xffff, v63  }
0x96: {  	[tilespmem:v60+s23+$0x0] =	vst.idx.msk $0xffff, v4  }
0x97: {  	s17 =	simm.s32 $0xE400;
	[tilespmem:v61+s23+$0x0] =	vst.idx.msk $0xffff, v5  }
0x98: {  	[hbm4b:s7+s2] =	stream.linear.scatter [tilespmem:s17], [sflag:$0x5], $0x80, $0x38;
	[tilespmem:$0x16C00] =	vst v63  }
0x99: {  	s18 =	simm.s32 $0xE488;
	s19 =	sadd.s32 $0x10, s7  }
0x9a: {  	[hbm4b:s19+s2] =	stream.linear.scatter [tilespmem:s18], [sflag:$0x5], $0x80, $0x38;
	[tilespmem:$0x16C00] =	vst v63  }
0x9b: {  	s20 =	simm.s32 $0xE510;
	s21 =	sadd.s32 $0x20, s7  }
0x9c: {  	[hbm4b:s21+s2] =	stream.linear.scatter [tilespmem:s20], [sflag:$0x5], $0x80, $0x38;
	[tilespmem:$0x16C00] =	vst v63  }
0x9d: {  	s16 =	simm.s32 $0xE598;
	s17 =	sadd.s32 $0x30, s7  }
0x9e: {  	[hbm4b:s17+s2] =	stream.linear.scatter [tilespmem:s16], [sflag:$0x5], $0x80, $0x38;
	[tilespmem:$0x16C00] =	vst v63  }
0x9f: {  	s18 =	simm.s32 $0xE620;
	s19 =	sadd.s32 $0x40, s7  }
0xa0: {  	[hbm4b:s19+s2] =	stream.linear.scatter [tilespmem:s18], [sflag:$0x5], $0x80, $0x38;
	[tilespmem:$0x16C00] =	vst v63  }
0xa1: {  	s20 =	simm.s32 $0xE6A8;
	s21 =	sadd.s32 $0x50, s7  }
0xa2: {  	[hbm4b:s21+s2] =	stream.linear.scatter [tilespmem:s20], [sflag:$0x5], $0x80, $0x38;
	[tilespmem:$0x16C00] =	vst v63  }
0xa3: {  	s17 =	simm.s32 $0xE730;
	s18 =	sadd.s32 $0x60, s7  }
0xa4: {  	[hbm4b:s18+s2] =	stream.linear.scatter [tilespmem:s17], [sflag:$0x5], $0x80, $0x38;
	[tilespmem:$0x16C00] =	vst v63  }
0xa5: {  	s19 =	simm.s32 $0xE7B8;
	s20 =	sadd.s32 $0x70, s7  }
0xa6: {  	[hbm4b:s20+s2] =	stream.linear.scatter [tilespmem:s19], [sflag:$0x5], $0x80, $0x38;
	[tilespmem:$0x16C00] =	vst v63  }
0xa7: {  	s21 =	simm.s32 $0xE840  }
0xa8: {  	[hbm4b:s6+s2] =	stream.linear.scatter [tilespmem:s21], [sflag:$0x5], $0x80, $0x38;
	[tilespmem:$0x16C00] =	vst v63  }
0xa9: {  	s16 =	simm.s32 $0xE8C8;
	s17 =	sadd.s32 $0x10, s6  }
0xaa: {  	[hbm4b:s17+s2] =	stream.linear.scatter [tilespmem:s16], [sflag:$0x5], $0x80, $0x38;
	[tilespmem:$0x16C00] =	vst v63  }
0xab: {  	p1 =	por $0x1, $0x1;
	s18 =	simm.s32 $0xE950;
	s19 =	sadd.s32 $0x20, s6  }
0xac: {  	[hbm4b:s19+s2] =	stream.linear.scatter [tilespmem:s18], [sflag:$0x5], $0x80, $0x38;
	[tilespmem:$0x16C00] =	vst v63  }
0xad: {  	s15 =	simm.s32 $0xEBF8;
	s20 =	simm.s32 $0xE9D8;
	s21 =	sadd.s32 $0x30, s6  }
0xae: {  	[hbm4b:s21+s2] =	stream.linear.scatter [tilespmem:s20], [sflag:$0x5], $0x80, $0x38;
	[tilespmem:$0x16C00] =	vst v63  }
0xaf: {  	s16 =	simm.s32 $0xEA60;
	s17 =	sadd.s32 $0x40, s6;
	s18 =	simm.s32 $0xEAE8  }
0xb0: {  	[hbm4b:s17+s2] =	stream.linear.scatter [tilespmem:s16], [sflag:$0x5], $0x80, $0x38;
	[tilespmem:$0x16C00] =	vst v63  }
.Ltmp1:
0xb1: {  	s19 =	sadd.s32 $0x50, s6;
	s20 =	simm.s32 $0xEB70;
	(pc) =	sbr.rel @!p1 .LBB2_6-.Ltmp1, $4  }
0xb2: {  	[hbm4b:s19+s2] =	stream.linear.scatter [tilespmem:s18], [sflag:$0x5], $0x80, $0x38;
	[tilespmem:$0x16C00] =	vst v63  }
0xb3: {  	s21 =	sadd.s32 $0x60, s6;
	s16 =	simm.s32 $0x0;
	s17 =	sadd.s32 $0x2000, s7  }
0xb4: {  	[hbm4b:s21+s2] =	stream.linear.scatter [tilespmem:s20], [sflag:$0x5], $0x80, $0x38;
	[tilespmem:$0x16C00] =	vst v63  }
0xb5: {  	s18 =	sadd.s32 $0x2000, s6;
	s19 =	simm.s32 $0xF0C0;
	s20 =	sadd.s32 $0x70, s6  }
.LBB2_5:
0xb6: {  	[hbm4b:s20+s2] =	stream.linear.scatter [tilespmem:s15], [sflag:$0x5], $0x80, $0x38;
	[tilespmem:$0x16C00] =	vst v63  }
0xb7: {  	s15 =	sadd.s32 $0xFFFFFBC0, s19;
	s16 =	sadd.s32 $0x2, s16;
	s20 =	smov.u32 s18  }
0xb8: {  	[hbm4b:s17+s2] =	stream.linear.scatter [tilespmem:s15], [sflag:$0x5], $0x80, $0x38;
	[tilespmem:$0x16C00] =	vst v63  }
0xb9: {  	s21 =	sadd.s32 $0x10, s17;
	p1 =	slt.u32 s16, $0x6;
	s15 =	sadd.s32 $0xFFFFFC48, s19  }
0xba: {  	[hbm4b:s21+s2] =	stream.linear.scatter [tilespmem:s15], [sflag:$0x5], $0x80, $0x38;
	[tilespmem:$0x16C00] =	vst v63  }
0xbb: {  	s15 =	sadd.s32 $0xFFFFFCD0, s19;
	s21 =	sadd.s32 $0x20, s17  }
0xbc: {  	[hbm4b:s21+s2] =	stream.linear.scatter [tilespmem:s15], [sflag:$0x5], $0x80, $0x38;
	[tilespmem:$0x16C00] =	vst v63  }
0xbd: {  	s15 =	sadd.s32 $0xFFFFFD58, s19;
	s21 =	sadd.s32 $0x30, s17  }
0xbe: {  	[hbm4b:s21+s2] =	stream.linear.scatter [tilespmem:s15], [sflag:$0x5], $0x80, $0x38;
	[tilespmem:$0x16C00] =	vst v63  }
0xbf: {  	s15 =	sadd.s32 $0xFFFFFDE0, s19;
	s21 =	sadd.s32 $0x40, s17  }
0xc0: {  	[hbm4b:s21+s2] =	stream.linear.scatter [tilespmem:s15], [sflag:$0x5], $0x80, $0x38;
	[tilespmem:$0x16C00] =	vst v63  }
0xc1: {  	s15 =	sadd.s32 $0xFFFFFE68, s19;
	s21 =	sadd.s32 $0x50, s17  }
0xc2: {  	[hbm4b:s21+s2] =	stream.linear.scatter [tilespmem:s15], [sflag:$0x5], $0x80, $0x38;
	[tilespmem:$0x16C00] =	vst v63  }
0xc3: {  	s15 =	sadd.s32 $0xFFFFFEF0, s19;
	s21 =	sadd.s32 $0x60, s17  }
0xc4: {  	[hbm4b:s21+s2] =	stream.linear.scatter [tilespmem:s15], [sflag:$0x5], $0x80, $0x38;
	[tilespmem:$0x16C00] =	vst v63  }
0xc5: {  	s15 =	sadd.s32 $0xFFFFFF78, s19;
	s21 =	sadd.s32 $0x70, s17  }
0xc6: {  	[hbm4b:s21+s2] =	stream.linear.scatter [tilespmem:s15], [sflag:$0x5], $0x80, $0x38;
	[tilespmem:$0x16C00] =	vst v63  }
0xc7: {  	_ = 	snop  }
0xc8: {  	[hbm4b:s18+s2] =	stream.linear.scatter [tilespmem:s19], [sflag:$0x5], $0x80, $0x38;
	[tilespmem:$0x16C00] =	vst v63  }
0xc9: {  	s15 =	sadd.s32 $0x88, s19;
	s21 =	sadd.s32 $0x10, s18  }
0xca: {  	[hbm4b:s21+s2] =	stream.linear.scatter [tilespmem:s15], [sflag:$0x5], $0x80, $0x38;
	[tilespmem:$0x16C00] =	vst v63  }
0xcb: {  	s15 =	sadd.s32 $0x110, s19;
	s21 =	sadd.s32 $0x20, s18  }
0xcc: {  	[hbm4b:s21+s2] =	stream.linear.scatter [tilespmem:s15], [sflag:$0x5], $0x80, $0x38;
	[tilespmem:$0x16C00] =	vst v63  }
0xcd: {  	s15 =	sadd.s32 $0x198, s19;
	s21 =	sadd.s32 $0x30, s18  }
0xce: {  	[hbm4b:s21+s2] =	stream.linear.scatter [tilespmem:s15], [sflag:$0x5], $0x80, $0x38;
	[tilespmem:$0x16C00] =	vst v63  }
0xcf: {  	s17 =	sadd.s32 $0x2000, s17;
	s15 =	sadd.s32 $0x220, s19;
	s21 =	sadd.s32 $0x40, s18  }
0xd0: {  	[hbm4b:s21+s2] =	stream.linear.scatter [tilespmem:s15], [sflag:$0x5], $0x80, $0x38;
	[tilespmem:$0x16C00] =	vst v63  }
.Ltmp2:
0xd1: {  	s15 =	sadd.s32 $0x2A8, s19;
	s21 =	sadd.s32 $0x50, s18;
	(pc) =	sbr.rel @p1 .LBB2_5-.Ltmp2, $4  }
0xd2: {  	[hbm4b:s21+s2] =	stream.linear.scatter [tilespmem:s15], [sflag:$0x5], $0x80, $0x38;
	[tilespmem:$0x16C00] =	vst v63  }
0xd3: {  	s18 =	sadd.s32 $0x2000, s18;
	s15 =	sadd.s32 $0x330, s19;
	s21 =	sadd.s32 $0x60, s20  }
0xd4: {  	[hbm4b:s21+s2] =	stream.linear.scatter [tilespmem:s15], [sflag:$0x5], $0x80, $0x38;
	[tilespmem:$0x16C00] =	vst v63  }
0xd5: {  	s20 =	sadd.s32 $0x70, s20;
	s15 =	sadd.s32 $0x3B8, s19;
	s19 =	sadd.s32 $0x880, s19  }
.LBB2_6:
0xd6: {  	p1 =	sne.s32 s5, $0x31  }
.Ltmp3:
0xd7: {  	_ = 	snop;
	(pc) =	sbr.rel @p1 .LBB2_9-.Ltmp3, $2  }
0xd8: {  	_ =	sdelay $0x2  }
0xd9: {  	[hbm4b:s20+s2] =	stream.linear.scatter [tilespmem:s15], [sflag:$0x5], $0x80, $0x38;
	[tilespmem:$0x16C00] =	vst v63  }
.Ltmp4:
0xda: {  	(pc) =	sbr.rel .LBB2_8-.Ltmp4, $4  }
0xdb: {  	_ = 	snop  }
0xdc: {  	_ =	swait.ge [sflag:s24], $0x2000  }
0xdd: {  	[sflag:s24] =	ssyncset.done $0x0  }
0xde: {  	[sflag:s24] =	ssyncadd.s32 $0xFFFFE000  }
.LBB2_9:
0xdf: {  	s15 =	sand.u32 $0x3FFFFE00, s4  }
.Ltmp5:
0xe0: {  	s16 =	simm.s32 $0x6400;
	s15 =	sadd.s32 $0x200, s15;
	(pc) =	sbr.rel @!p0 .LBB2_10-.Ltmp5, $4  }
0xe1: {  	[tilespmem:s16], [sflag:$0x1] =	stream.indirect.gather [hbm4b:s3+s14], $0x40, s15, s14, $0xb8;
	[tilespmem:$0x16C00] =	vst v63  }
0xe2: {  	_ =	swait.ge [sflag:s24], $0x2000  }
0xe3: {  	[sflag:s24] =	ssyncset.done $0x0  }
0xe4: {  	[sflag:s24] =	ssyncadd.s32 $0xFFFFE000  }
.LBB2_8:
0xe5: {  	_ =	swait.ge [sflag:s25], $0x400  }
0xe6: {  	[sflag:s25] =	ssyncset.done $0x0  }
0xe7: {  	[sflag:s25] =	ssyncadd.s32 $0xFFFFFC00  }
0xe8: {  	_ =	swait.ge [sflag:s25], $0x400  }
0xe9: {  	[sflag:s25] =	ssyncset.done $0x0  }
0xea: {  	[sflag:s25] =	ssyncadd.s32 $0xFFFFFC00  }
0xeb: {  	_ =	swait.ge [sflag:s25], $0x400  }
0xec: {  	[sflag:s25] =	ssyncset.done $0x0  }
0xed: {  	[sflag:s25] =	ssyncadd.s32 $0xFFFFFC00  }
0xee: {  	_ =	swait.ge [sflag:s25], $0x400  }
0xef: {  	[sflag:s25] =	ssyncset.done $0x0  }
0xf0: {  	[sflag:s25] =	ssyncadd.s32 $0xFFFFFC00  }
0xf1: {  	_ =	swait.ge [sflag:s25], $0x400  }
0xf2: {  	[sflag:s25] =	ssyncset.done $0x0  }
0xf3: {  	[sflag:s25] =	ssyncadd.s32 $0xFFFFFC00  }
0xf4: {  	_ =	swait.ge [sflag:s25], $0x400  }
0xf5: {  	[sflag:s25] =	ssyncset.done $0x0  }
0xf6: {  	[sflag:s25] =	ssyncadd.s32 $0xFFFFFC00  }
0xf7: {  	_ =	swait.ge [sflag:s25], $0x400  }
0xf8: {  	[sflag:s25] =	ssyncset.done $0x0  }
0xf9: {  	[sflag:s25] =	ssyncadd.s32 $0xFFFFFC00  }
0xfa: {  	_ =	swait.ge [sflag:s25], $0x400  }
0xfb: {  	[sflag:s25] =	ssyncset.done $0x0  }
0xfc: {  	[sflag:s25] =	ssyncadd.s32 $0xFFFFFC00  }
.LBB2_10:
0xfd: {  	s18 =	simm.s32 $0x8480;
	s16 =	simm.s32 $0x3  }
0xfe: {  	v4 =	vmov s16;
	v5 =	vld [tilespmem:s18+$0x40]  }
0xff: {  	v9 =	vand.u32 $0x7F, v4  }
0x100: {  	s15 =	simm.s32 $0x0;
	v4 =	vadd.s32 v0, v9  }
0x101: {  	s19 =	simm.s32 $0x1;
	s20 =	simm.s32 $0x2;
	v6 =	vmov s15;
	v7 =	vld [tilespmem:s18+$0xFFFFFF80]  }
0x102: {  	v10 =	vld [tilespmem:s18+$0xFFFFFFC0];
	v11 =	vmov s20;
	v8 =	vand.u32 $0x7C, v6;
	v6 =	vmov s19  }
0x103: {  	v12 =	vadd.s32 v0, v8;
	v15 =	vand.u32 $0x7D, v6;
	v6 =	vld [tilespmem:s18+$0x0];
	v5 =	vmul.f32 $8.000000000e+00, v5  }
0x104: {  	v17 =	vand.u32 $0x7E, v11;
	v13 =	vadd.s32 v0, v15  }
0x105: {  	v11 =	vadd.s32 v0, v17;
	[tilespmem:v4+s26+$0x0] =	vst.idx.msk $0xffff, v5  }
0x106: {  	v4 =	vmul.f32 $8.000000000e+00, v7;
	v5 =	vld [tilespmem:s18+$0x50]  }
0x107: {  	v7 =	vmul.f32 $8.000000000e+00, v10  }
0x108: {  	[tilespmem:v12+s26+$0x0] =	vst.idx.msk $0xffff, v4;
	v4 =	vmul.f32 $8.000000000e+00, v6;
	v6 =	vadd.s32 v1, v9  }
0x109: {  	[tilespmem:v13+s26+$0x0] =	vst.idx.msk $0xffff, v7;
	v10 =	vld [tilespmem:s18+$0xFFFFFF90]  }
0x10a: {  	v7 =	vld [tilespmem:s18+$0xFFFFFFD0];
	[tilespmem:v11+s26+$0x0] =	vst.idx.msk $0xffff, v4  }
0x10b: {  	v11 =	vld [tilespmem:s18+$0x10];
	v4 =	vmul.f32 $8.000000000e+00, v5  }
0x10c: {  	s21 =	simm.s32 $0x4;
	s17 =	simm.s32 $0x7;
	s16 =	simm.s32 $0x8580;
	v12 =	vadd.s32 v1, v15  }
0x10d: {  	v14 =	vld [tilespmem:s16+$0x40];
	v13 =	vadd.s32 v1, v17;
	v5 =	vmov s21;
	[tilespmem:v6+s26+$0x0] =	vst.idx.msk $0xffff, v4;
	v6 =	vmov s17  }
0x10e: {  	v16 =	vadd.s32 v1, v8;
	v4 =	vand.u32 $0x7C, v5;
	v5 =	vand.u32 $0x7F, v6;
	v18 =	vld [tilespmem:s18+$0x60]  }
0x10f: {  	s19 =	simm.s32 $0x5;
	v19 =	vld [tilespmem:s16+$0xFFFFFF80];
	v22 =	vadd.s32 v2, v9;
	v6 =	vmul.f32 $8.000000000e+00, v7;
	v20 =	vadd.s32 v0, v5  }
0x110: {  	s20 =	simm.s32 $0x6;
	v21 =	vld [tilespmem:s16+$0xFFFFFFC0];
	v10 =	vmul.f32 $8.000000000e+00, v10;
	v7 =	vmul.f32 $8.000000000e+00, v11;
	v11 =	vmov s19  }
0x111: {  	v23 =	vadd.s32 v0, v4;
	[tilespmem:v12+s26+$0x0] =	vst.idx.msk $0xffff, v6;
	v12 =	vmov s20;
	v6 =	vand.u32 $0x7D, v11;
	v11 =	vld [tilespmem:s16+$0x0]  }
0x112: {  	[tilespmem:v13+s26+$0x0] =	vst.idx.msk $0xffff, v7;
	v13 =	vadd.s32 v0, v6;
	v7 =	vand.u32 $0x7E, v12;
	v12 =	vmul.f32 $8.000000000e+00, v14;
	v14 =	vld [tilespmem:s18+$0xFFFFFFE0]  }
0x113: {  	[tilespmem:v16+s26+$0x0] =	vst.idx.msk $0xffff, v10;
	v10 =	vadd.s32 v0, v7;
	v16 =	vld [tilespmem:s18+$0x20];
	v18 =	vmul.f32 $8.000000000e+00, v18  }
0x114: {  	v19 =	vmul.f32 $8.000000000e+00, v19;
	[tilespmem:v20+s26+$0x0] =	vst.idx.msk $0xffff, v12;
	v12 =	vld [tilespmem:s18+$0xFFFFFFA0];
	v20 =	vadd.s32 v2, v15  }
0x115: {  	v25 =	vadd.s32 v2, v17;
	v21 =	vmul.f32 $8.000000000e+00, v21;
	v24 =	vld [tilespmem:s16+$0x50];
	[tilespmem:v22+s26+$0x0] =	vst.idx.msk $0xffff, v18  }
0x116: {  	[tilespmem:v23+s26+$0x0] =	vst.idx.msk $0xffff, v19;
	v19 =	vadd.s32 v2, v8;
	v11 =	vmul.f32 $8.000000000e+00, v11;
	v22 =	vld [tilespmem:s18+$0x70]  }
0x117: {  	v23 =	vld [tilespmem:s16+$0xFFFFFF90];
	[tilespmem:v13+s26+$0x0] =	vst.idx.msk $0xffff, v21;
	v21 =	vadd.s32 v1, v5;
	v14 =	vmul.f32 $8.000000000e+00, v14  }
0x118: {  	v27 =	vadd.s32 v3, v9;
	v26 =	vld [tilespmem:s16+$0xFFFFFFD0];
	[tilespmem:v10+s26+$0x0] =	vst.idx.msk $0xffff, v11;
	v10 =	vmul.f32 $8.000000000e+00, v16  }
0x119: {  	v18 =	vadd.s32 v1, v4;
	v13 =	vld [tilespmem:s16+$0x10];
	v9 =	vmul.f32 $8.000000000e+00, v12;
	[tilespmem:v20+s26+$0x0] =	vst.idx.msk $0xffff, v14  }
0x11a: {  	s17 =	simm.s32 $0x8;
	v16 =	vadd.s32 v1, v6;
	[tilespmem:v25+s26+$0x0] =	vst.idx.msk $0xffff, v10;
	v14 =	vmul.f32 $8.000000000e+00, v24;
	v12 =	vld [tilespmem:s18+$0xFFFFFFF0]  }
0x11b: {  	v20 =	vmov s17;
	v10 =	vadd.s32 v1, v7;
	v11 =	vld [tilespmem:s18+$0x30];
	[tilespmem:v19+s26+$0x0] =	vst.idx.msk $0xffff, v9;
	v63 =	vmul.f32 $8.000000000e+00, v22  }
0x11c: {  	s21 =	simm.s32 $0xB;
	s19 =	simm.s32 $0x8680;
	v15 =	vadd.s32 v3, v15;
	v9 =	vand.u32 $0x7C, v20;
	v20 =	vmul.f32 $8.000000000e+00, v23;
	[tilespmem:v21+s26+$0x0] =	vst.idx.msk $0xffff, v14;
	v14 =	vld [tilespmem:s18+$0xFFFFFFB0]  }
0x11d: {  	v17 =	vadd.s32 v3, v17;
	v22 =	vmov s21;
	v19 =	vld [tilespmem:s19+$0x40];
	s18 =	simm.s32 $0xC;
	v21 =	vmul.f32 $8.000000000e+00, v26;
	[tilespmem:v27+s26+$0x0] =	vst.idx.msk $0xffff, v63  }
.LBB2_11:
0x11e: {  	p2 =	slt.u32 s18, $0x7C;
	s15 =	sadd.s32 $0x1, s17;
	v22 =	vand.u32 $0x7F, v22;
	[tilespmem:v18+s26+$0x0] =	vst.idx.msk $0xffff, v20;
	v13 =	vmul.f32 $8.000000000e+00, v13;
	v18 =	vld [tilespmem:s16+$0x60];
	v20 =	vadd.s32 v3, v8;
	v8 =	vmovc v4  }
0x11f: {  	v4 =	vmovc v9;
	v23 =	vld [tilespmem:s19+$0xFFFFFF80];
	v24 =	vmov s15;
	s15 =	sadd.s32 $0x2, s17;
	v25 =	vadd.s32 v0, v22;
	[tilespmem:v16+s26+$0x0] =	vst.idx.msk $0xffff, v21;
	v12 =	vmul.f32 $8.000000000e+00, v12;
	s17 =	smov.u32 s18  }
0x120: {  	v9 =	vld [tilespmem:s19+$0xFFFFFFC0];
	v16 =	vmov s15;
	[tilespmem:v10+s26+$0x0] =	vst.idx.msk $0xffff, v13;
	v10 =	vadd.s32 v2, v5;
	v11 =	vmul.f32 $8.000000000e+00, v11  }
0x121: {  	v13 =	vadd.s32 v0, v4;
	v21 =	vand.u32 $0x7D, v24;
	v24 =	vld [tilespmem:s19+$0x0];
	v14 =	vmul.f32 $8.000000000e+00, v14;
	[tilespmem:v15+s26+$0x0] =	vst.idx.msk $0xffff, v12  }
0x122: {  	v12 =	vadd.s32 v0, v21;
	v26 =	vand.u32 $0x7E, v16;
	v15 =	vmul.f32 $8.000000000e+00, v19;
	v16 =	vld [tilespmem:s16+$0xFFFFFFE0];
	[tilespmem:v17+s26+$0x0] =	vst.idx.msk $0xffff, v11  }
0x123: {  	v11 =	vadd.s32 v0, v26;
	v17 =	vld [tilespmem:s16+$0x20];
	v18 =	vmul.f32 $8.000000000e+00, v18;
	[tilespmem:v20+s26+$0x0] =	vst.idx.msk $0xffff, v14  }
0x124: {  	v19 =	vadd.s32 v2, v6;
	v14 =	vmul.f32 $8.000000000e+00, v23;
	[tilespmem:v25+s26+$0x0] =	vst.idx.msk $0xffff, v15;
	v15 =	vld [tilespmem:s16+$0xFFFFFFA0]  }
0x125: {  	v23 =	vadd.s32 v2, v7;
	v9 =	vmul.f32 $8.000000000e+00, v9;
	v20 =	vld [tilespmem:s19+$0x50];
	[tilespmem:v10+s26+$0x0] =	vst.idx.msk $0xffff, v18  }
0x126: {  	[tilespmem:v13+s26+$0x0] =	vst.idx.msk $0xffff, v14;
	v10 =	vmul.f32 $8.000000000e+00, v24;
	v14 =	vadd.s32 v2, v8;
	v24 =	vld [tilespmem:s16+$0x70]  }
0x127: {  	v27 =	vadd.s32 v1, v22;
	v25 =	vld [tilespmem:s19+$0xFFFFFF90];
	[tilespmem:v12+s26+$0x0] =	vst.idx.msk $0xffff, v9;
	v9 =	vmul.f32 $8.000000000e+00, v16  }
0x128: {  	v29 =	vadd.s32 v3, v5;
	v5 =	vmov v22;
	v28 =	vld [tilespmem:s19+$0xFFFFFFD0];
	[tilespmem:v11+s26+$0x0] =	vst.idx.msk $0xffff, v10;
	v10 =	vmul.f32 $8.000000000e+00, v17  }
.Ltmp6:
0x129: {  	v18 =	vadd.s32 v1, v4;
	v13 =	vld [tilespmem:s19+$0x10];
	v11 =	vmul.f32 $8.000000000e+00, v15;
	[tilespmem:v19+s26+$0x0] =	vst.idx.msk $0xffff, v9;
	(pc) =	sbr.rel @p2 .LBB2_11-.Ltmp6, $4  }
0x12a: {  	v16 =	vadd.s32 v1, v21;
	v15 =	vmul.f32 $8.000000000e+00, v20;
	v12 =	vld [tilespmem:s16+$0xFFFFFFF0];
	[tilespmem:v23+s26+$0x0] =	vst.idx.msk $0xffff, v10  }
0x12b: {  	v9 =	vmov s18;
	v10 =	vadd.s32 v1, v26;
	[tilespmem:v14+s26+$0x0] =	vst.idx.msk $0xffff, v11;
	v11 =	vld [tilespmem:s16+$0x30];
	v23 =	vmul.f32 $8.000000000e+00, v24  }
0x12c: {  	s15 =	sadd.s32 $0x3, s18;
	v9 =	vand.u32 $0x7C, v9;
	v20 =	vmul.f32 $8.000000000e+00, v25;
	[tilespmem:v27+s26+$0x0] =	vst.idx.msk $0xffff, v15;
	v14 =	vld [tilespmem:s16+$0xFFFFFFB0];
	v15 =	vadd.s32 v3, v6;
	v6 =	vmovc v21;
	s16 =	smov.u32 s19;
	s19 =	sadd.s32 $0x100, s19  }
0x12d: {  	v22 =	vmov s15;
	v17 =	vadd.s32 v3, v7;
	v7 =	vmovc v26;
	s18 =	sadd.s32 $0x4, s18;
	v19 =	vld [tilespmem:s19+$0x40];
	v21 =	vmul.f32 $8.000000000e+00, v28;
	[tilespmem:v29+s26+$0x0] =	vst.idx.msk $0xffff, v23  }
0x12e: {  	s15 =	sadd.s32 $0x1, s17;
	v22 =	vand.u32 $0x7F, v22;
	v28 =	vld [tilespmem:s19+$0xFFFFFF80]  }
0x12f: {  	s21 =	sadd.s32 $0x2, s17;
	v24 =	vld [tilespmem:s19+$0xFFFFFFC0];
	v23 =	vmov s15;
	v25 =	vadd.s32 v0, v22  }
0x130: {  	v27 =	vld [tilespmem:s19+$0x0];
	v51 =	vadd.s32 v0, v9;
	v26 =	vmov s21;
	v23 =	vand.u32 $0x7D, v23  }
0x131: {  	v26 =	vand.u32 $0x7E, v26;
	v29 =	vadd.s32 v0, v23  }
0x132: {  	[tilespmem:v18+s26+$0x0] =	vst.idx.msk $0xffff, v20;
	v30 =	vadd.s32 v0, v26;
	v19 =	vmul.f32 $8.000000000e+00, v19  }
0x133: {  	[tilespmem:v16+s26+$0x0] =	vst.idx.msk $0xffff, v21;
	v54 =	vmul.f32 $8.000000000e+00, v28  }
0x134: {  	v52 =	vmul.f32 $8.000000000e+00, v24;
	[tilespmem:v25+s26+$0x0] =	vst.idx.msk $0xffff, v19  }
0x135: {  	v53 =	vmul.f32 $8.000000000e+00, v27;
	v55 =	vld [tilespmem:s19+$0x50];
	[tilespmem:v51+s26+$0x0] =	vst.idx.msk $0xffff, v54  }
0x136: {  	v13 =	vmul.f32 $8.000000000e+00, v13;
	v8 =	vadd.s32 v3, v8;
	[tilespmem:v29+s26+$0x0] =	vst.idx.msk $0xffff, v52;
	v59 =	vld [tilespmem:s19+$0xFFFFFF90]  }
0x137: {  	v12 =	vmul.f32 $8.000000000e+00, v12;
	v57 =	vadd.s32 v1, v22;
	[tilespmem:v30+s26+$0x0] =	vst.idx.msk $0xffff, v53;
	v56 =	vld [tilespmem:s19+$0xFFFFFFD0]  }
0x138: {  	[tilespmem:v10+s26+$0x0] =	vst.idx.msk $0xffff, v13;
	v58 =	vmul.f32 $8.000000000e+00, v11;
	v28 =	vadd.s32 v1, v9;
	v19 =	vld [tilespmem:s19+$0x10]  }
0x139: {  	v61 =	vld [tilespmem:s16+$0x60];
	v60 =	vadd.s32 v1, v23;
	v14 =	vmul.f32 $8.000000000e+00, v14;
	[tilespmem:v15+s26+$0x0] =	vst.idx.msk $0xffff, v12  }
0x13a: {  	v32 =	vld [tilespmem:s16+$0xFFFFFFA0];
	v62 =	vadd.s32 v1, v26;
	[tilespmem:v17+s26+$0x0] =	vst.idx.msk $0xffff, v58;
	v16 =	vmul.f32 $8.000000000e+00, v55  }
0x13b: {  	[tilespmem:v8+s26+$0x0] =	vst.idx.msk $0xffff, v14;
	v29 =	vadd.s32 v2, v5;
	v30 =	vld [tilespmem:s16+$0x20];
	v11 =	vmul.f32 $8.000000000e+00, v59  }
0x13c: {  	v38 =	vadd.s32 v2, v4;
	v63 =	vld [tilespmem:s16+$0xFFFFFFE0];
	v31 =	vmul.f32 $8.000000000e+00, v56;
	[tilespmem:v57+s26+$0x0] =	vst.idx.msk $0xffff, v16  }
0x13d: {  	v35 =	vadd.s32 v2, v7;
	v34 =	vmul.f32 $8.000000000e+00, v19;
	v36 =	vld [tilespmem:s19+$0x60];
	[tilespmem:v28+s26+$0x0] =	vst.idx.msk $0xffff, v11  }
0x13e: {  	v33 =	vadd.s32 v2, v6;
	v37 =	vmul.f32 $8.000000000e+00, v61;
	[tilespmem:v60+s26+$0x0] =	vst.idx.msk $0xffff, v31;
	v43 =	vld [tilespmem:s19+$0xFFFFFFA0]  }
0x13f: {  	v40 =	vadd.s32 v2, v22;
	v14 =	vmul.f32 $8.000000000e+00, v32;
	[tilespmem:v62+s26+$0x0] =	vst.idx.msk $0xffff, v34;
	v39 =	vld [tilespmem:s19+$0xFFFFFFE0]  }
0x140: {  	v48 =	vadd.s32 v2, v9;
	[tilespmem:v29+s26+$0x0] =	vst.idx.msk $0xffff, v37;
	v42 =	vmul.f32 $8.000000000e+00, v30;
	v41 =	vld [tilespmem:s19+$0x20]  }
0x141: {  	v44 =	vadd.s32 v2, v23;
	v15 =	vmul.f32 $8.000000000e+00, v63;
	[tilespmem:v38+s26+$0x0] =	vst.idx.msk $0xffff, v14;
	v45 =	vld [tilespmem:s16+$0x70]  }
0x142: {  	v46 =	vadd.s32 v2, v26;
	v14 =	vld [tilespmem:s16+$0xFFFFFFB0];
	[tilespmem:v35+s26+$0x0] =	vst.idx.msk $0xffff, v42;
	v47 =	vmul.f32 $8.000000000e+00, v36  }
0x143: {  	v5 =	vadd.s32 v3, v5;
	[tilespmem:v33+s26+$0x0] =	vst.idx.msk $0xffff, v15;
	v49 =	vld [tilespmem:s16+$0x30];
	v53 =	vmul.f32 $8.000000000e+00, v43  }
0x144: {  	v4 =	vadd.s32 v3, v4;
	v21 =	vld [tilespmem:s16+$0xFFFFFFF0];
	v12 =	vmul.f32 $8.000000000e+00, v39;
	[tilespmem:v40+s26+$0x0] =	vst.idx.msk $0xffff, v47  }
0x145: {  	v52 =	vadd.s32 v3, v7;
	v51 =	vmul.f32 $8.000000000e+00, v41;
	v10 =	vld [tilespmem:s19+$0x70];
	[tilespmem:v48+s26+$0x0] =	vst.idx.msk $0xffff, v53  }
0x146: {  	v50 =	vadd.s32 v3, v6;
	v54 =	vmul.f32 $8.000000000e+00, v45;
	[tilespmem:v44+s26+$0x0] =	vst.idx.msk $0xffff, v12;
	v59 =	vld [tilespmem:s19+$0xFFFFFFB0]  }
0x147: {  	v57 =	vadd.s32 v3, v22;
	v14 =	vmul.f32 $8.000000000e+00, v14;
	[tilespmem:v46+s26+$0x0] =	vst.idx.msk $0xffff, v51;
	v55 =	vld [tilespmem:s19+$0xFFFFFFF0]  }
0x148: {  	v62 =	vadd.s32 v3, v9;
	[tilespmem:v5+s26+$0x0] =	vst.idx.msk $0xffff, v54;
	v5 =	vmul.f32 $8.000000000e+00, v49;
	v58 =	vld [tilespmem:s19+$0x30]  }
0x149: {  	v56 =	vmul.f32 $8.000000000e+00, v21;
	v60 =	vadd.s32 v3, v23;
	[tilespmem:v4+s26+$0x0] =	vst.idx.msk $0xffff, v14  }
0x14a: {  	v61 =	vadd.s32 v3, v26;
	[tilespmem:v52+s26+$0x0] =	vst.idx.msk $0xffff, v5;
	v5 =	vmul.f32 $8.000000000e+00, v10  }
0x14b: {  	[tilespmem:v50+s26+$0x0] =	vst.idx.msk $0xffff, v56;
	v63 =	vmul.f32 $8.000000000e+00, v59  }
0x14c: {  	v4 =	vmul.f32 $8.000000000e+00, v55;
	[tilespmem:v57+s26+$0x0] =	vst.idx.msk $0xffff, v5  }
0x14d: {  	v5 =	vmul.f32 $8.000000000e+00, v58;
	[tilespmem:v62+s26+$0x0] =	vst.idx.msk $0xffff, v63  }
0x14e: {  	[tilespmem:v60+s26+$0x0] =	vst.idx.msk $0xffff, v4  }
0x14f: {  	s17 =	simm.s32 $0x10600;
	[tilespmem:v61+s26+$0x0] =	vst.idx.msk $0xffff, v5  }
0x150: {  	[hbm4b:s9+s2] =	stream.linear.scatter [tilespmem:s17], [sflag:$0x6], $0x80, $0x38;
	[tilespmem:$0x16C00] =	vst v63  }
0x151: {  	s18 =	simm.s32 $0x10688;
	s19 =	sadd.s32 $0x10, s9  }
0x152: {  	[hbm4b:s19+s2] =	stream.linear.scatter [tilespmem:s18], [sflag:$0x6], $0x80, $0x38;
	[tilespmem:$0x16C00] =	vst v63  }
0x153: {  	s20 =	simm.s32 $0x10710;
	s21 =	sadd.s32 $0x20, s9  }
0x154: {  	[hbm4b:s21+s2] =	stream.linear.scatter [tilespmem:s20], [sflag:$0x6], $0x80, $0x38;
	[tilespmem:$0x16C00] =	vst v63  }
0x155: {  	s16 =	simm.s32 $0x10798;
	s17 =	sadd.s32 $0x30, s9  }
0x156: {  	[hbm4b:s17+s2] =	stream.linear.scatter [tilespmem:s16], [sflag:$0x6], $0x80, $0x38;
	[tilespmem:$0x16C00] =	vst v63  }
0x157: {  	s18 =	simm.s32 $0x10820;
	s19 =	sadd.s32 $0x40, s9  }
0x158: {  	[hbm4b:s19+s2] =	stream.linear.scatter [tilespmem:s18], [sflag:$0x6], $0x80, $0x38;
	[tilespmem:$0x16C00] =	vst v63  }
0x159: {  	s20 =	simm.s32 $0x108A8;
	s21 =	sadd.s32 $0x50, s9  }
0x15a: {  	[hbm4b:s21+s2] =	stream.linear.scatter [tilespmem:s20], [sflag:$0x6], $0x80, $0x38;
	[tilespmem:$0x16C00] =	vst v63  }
0x15b: {  	s17 =	simm.s32 $0x10930;
	s18 =	sadd.s32 $0x60, s9  }
0x15c: {  	[hbm4b:s18+s2] =	stream.linear.scatter [tilespmem:s17], [sflag:$0x6], $0x80, $0x38;
	[tilespmem:$0x16C00] =	vst v63  }
0x15d: {  	s19 =	simm.s32 $0x109B8;
	s20 =	sadd.s32 $0x70, s9  }
0x15e: {  	[hbm4b:s20+s2] =	stream.linear.scatter [tilespmem:s19], [sflag:$0x6], $0x80, $0x38;
	[tilespmem:$0x16C00] =	vst v63  }
0x15f: {  	s21 =	simm.s32 $0x10A40  }
0x160: {  	[hbm4b:s8+s2] =	stream.linear.scatter [tilespmem:s21], [sflag:$0x6], $0x80, $0x38;
	[tilespmem:$0x16C00] =	vst v63  }
0x161: {  	s16 =	simm.s32 $0x10AC8;
	s17 =	sadd.s32 $0x10, s8  }
0x162: {  	[hbm4b:s17+s2] =	stream.linear.scatter [tilespmem:s16], [sflag:$0x6], $0x80, $0x38;
	[tilespmem:$0x16C00] =	vst v63  }
0x163: {  	p2 =	por $0x1, $0x1;
	s18 =	simm.s32 $0x10B50;
	s19 =	sadd.s32 $0x20, s8  }
0x164: {  	[hbm4b:s19+s2] =	stream.linear.scatter [tilespmem:s18], [sflag:$0x6], $0x80, $0x38;
	[tilespmem:$0x16C00] =	vst v63  }
0x165: {  	s15 =	simm.s32 $0x10DF8;
	s20 =	simm.s32 $0x10BD8;
	s21 =	sadd.s32 $0x30, s8  }
0x166: {  	[hbm4b:s21+s2] =	stream.linear.scatter [tilespmem:s20], [sflag:$0x6], $0x80, $0x38;
	[tilespmem:$0x16C00] =	vst v63  }
0x167: {  	s16 =	simm.s32 $0x10C60;
	s17 =	sadd.s32 $0x40, s8;
	s18 =	simm.s32 $0x10CE8  }
0x168: {  	[hbm4b:s17+s2] =	stream.linear.scatter [tilespmem:s16], [sflag:$0x6], $0x80, $0x38;
	[tilespmem:$0x16C00] =	vst v63  }
.Ltmp7:
0x169: {  	s19 =	sadd.s32 $0x50, s8;
	s20 =	simm.s32 $0x10D70;
	(pc) =	sbr.rel @!p2 .LBB2_14-.Ltmp7, $4  }
0x16a: {  	[hbm4b:s19+s2] =	stream.linear.scatter [tilespmem:s18], [sflag:$0x6], $0x80, $0x38;
	[tilespmem:$0x16C00] =	vst v63  }
0x16b: {  	s21 =	sadd.s32 $0x60, s8;
	s16 =	simm.s32 $0x0;
	s17 =	sadd.s32 $0x2000, s9  }
0x16c: {  	[hbm4b:s21+s2] =	stream.linear.scatter [tilespmem:s20], [sflag:$0x6], $0x80, $0x38;
	[tilespmem:$0x16C00] =	vst v63  }
0x16d: {  	s18 =	sadd.s32 $0x2000, s8;
	s19 =	simm.s32 $0x112C0;
	s20 =	sadd.s32 $0x70, s8  }
.LBB2_13:
0x16e: {  	[hbm4b:s20+s2] =	stream.linear.scatter [tilespmem:s15], [sflag:$0x6], $0x80, $0x38;
	[tilespmem:$0x16C00] =	vst v63  }
0x16f: {  	s15 =	sadd.s32 $0xFFFFFBC0, s19;
	s16 =	sadd.s32 $0x2, s16;
	s20 =	smov.u32 s18  }
0x170: {  	[hbm4b:s17+s2] =	stream.linear.scatter [tilespmem:s15], [sflag:$0x6], $0x80, $0x38;
	[tilespmem:$0x16C00] =	vst v63  }
0x171: {  	s21 =	sadd.s32 $0x10, s17;
	p2 =	slt.u32 s16, $0x6;
	s15 =	sadd.s32 $0xFFFFFC48, s19  }
0x172: {  	[hbm4b:s21+s2] =	stream.linear.scatter [tilespmem:s15], [sflag:$0x6], $0x80, $0x38;
	[tilespmem:$0x16C00] =	vst v63  }
0x173: {  	s15 =	sadd.s32 $0xFFFFFCD0, s19;
	s21 =	sadd.s32 $0x20, s17  }
0x174: {  	[hbm4b:s21+s2] =	stream.linear.scatter [tilespmem:s15], [sflag:$0x6], $0x80, $0x38;
	[tilespmem:$0x16C00] =	vst v63  }
0x175: {  	s15 =	sadd.s32 $0xFFFFFD58, s19;
	s21 =	sadd.s32 $0x30, s17  }
0x176: {  	[hbm4b:s21+s2] =	stream.linear.scatter [tilespmem:s15], [sflag:$0x6], $0x80, $0x38;
	[tilespmem:$0x16C00] =	vst v63  }
0x177: {  	s15 =	sadd.s32 $0xFFFFFDE0, s19;
	s21 =	sadd.s32 $0x40, s17  }
0x178: {  	[hbm4b:s21+s2] =	stream.linear.scatter [tilespmem:s15], [sflag:$0x6], $0x80, $0x38;
	[tilespmem:$0x16C00] =	vst v63  }
0x179: {  	s15 =	sadd.s32 $0xFFFFFE68, s19;
	s21 =	sadd.s32 $0x50, s17  }
0x17a: {  	[hbm4b:s21+s2] =	stream.linear.scatter [tilespmem:s15], [sflag:$0x6], $0x80, $0x38;
	[tilespmem:$0x16C00] =	vst v63  }
0x17b: {  	s15 =	sadd.s32 $0xFFFFFEF0, s19;
	s21 =	sadd.s32 $0x60, s17  }
0x17c: {  	[hbm4b:s21+s2] =	stream.linear.scatter [tilespmem:s15], [sflag:$0x6], $0x80, $0x38;
	[tilespmem:$0x16C00] =	vst v63  }
0x17d: {  	s15 =	sadd.s32 $0xFFFFFF78, s19;
	s21 =	sadd.s32 $0x70, s17  }
0x17e: {  	[hbm4b:s21+s2] =	stream.linear.scatter [tilespmem:s15], [sflag:$0x6], $0x80, $0x38;
	[tilespmem:$0x16C00] =	vst v63  }
0x17f: {  	_ = 	snop  }
0x180: {  	[hbm4b:s18+s2] =	stream.linear.scatter [tilespmem:s19], [sflag:$0x6], $0x80, $0x38;
	[tilespmem:$0x16C00] =	vst v63  }
0x181: {  	s15 =	sadd.s32 $0x88, s19;
	s21 =	sadd.s32 $0x10, s18  }
0x182: {  	[hbm4b:s21+s2] =	stream.linear.scatter [tilespmem:s15], [sflag:$0x6], $0x80, $0x38;
	[tilespmem:$0x16C00] =	vst v63  }
0x183: {  	s15 =	sadd.s32 $0x110, s19;
	s21 =	sadd.s32 $0x20, s18  }
0x184: {  	[hbm4b:s21+s2] =	stream.linear.scatter [tilespmem:s15], [sflag:$0x6], $0x80, $0x38;
	[tilespmem:$0x16C00] =	vst v63  }
0x185: {  	s15 =	sadd.s32 $0x198, s19;
	s21 =	sadd.s32 $0x30, s18  }
0x186: {  	[hbm4b:s21+s2] =	stream.linear.scatter [tilespmem:s15], [sflag:$0x6], $0x80, $0x38;
	[tilespmem:$0x16C00] =	vst v63  }
0x187: {  	s17 =	sadd.s32 $0x2000, s17;
	s15 =	sadd.s32 $0x220, s19;
	s21 =	sadd.s32 $0x40, s18  }
0x188: {  	[hbm4b:s21+s2] =	stream.linear.scatter [tilespmem:s15], [sflag:$0x6], $0x80, $0x38;
	[tilespmem:$0x16C00] =	vst v63  }
.Ltmp8:
0x189: {  	s15 =	sadd.s32 $0x2A8, s19;
	s21 =	sadd.s32 $0x50, s18;
	(pc) =	sbr.rel @p2 .LBB2_13-.Ltmp8, $4  }
0x18a: {  	[hbm4b:s21+s2] =	stream.linear.scatter [tilespmem:s15], [sflag:$0x6], $0x80, $0x38;
	[tilespmem:$0x16C00] =	vst v63  }
0x18b: {  	s18 =	sadd.s32 $0x2000, s18;
	s15 =	sadd.s32 $0x330, s19;
	s21 =	sadd.s32 $0x60, s20  }
0x18c: {  	[hbm4b:s21+s2] =	stream.linear.scatter [tilespmem:s15], [sflag:$0x6], $0x80, $0x38;
	[tilespmem:$0x16C00] =	vst v63  }
0x18d: {  	s20 =	sadd.s32 $0x70, s20;
	s15 =	sadd.s32 $0x3B8, s19;
	s19 =	sadd.s32 $0x880, s19  }
.LBB2_14:
.Ltmp9:
0x18e: {  	(pc) =	sbr.rel @p1 .LBB2_17-.Ltmp9, $2  }
0x18f: {  	_ =	sdelay $0x2  }
0x190: {  	[hbm4b:s20+s2] =	stream.linear.scatter [tilespmem:s15], [sflag:$0x6], $0x80, $0x38;
	[tilespmem:$0x16C00] =	vst v63  }
.Ltmp10:
0x191: {  	(pc) =	sbr.rel .LBB2_16-.Ltmp10, $4  }
0x192: {  	_ = 	snop  }
0x193: {  	_ =	swait.ge [sflag:s28], $0x2000  }
0x194: {  	[sflag:s28] =	ssyncset.done $0x0  }
0x195: {  	[sflag:s28] =	ssyncadd.s32 $0xFFFFE000  }
.LBB2_17:
0x196: {  	s15 =	sand.u32 $0x3FFFFE00, s4  }
.Ltmp11:
0x197: {  	s16 =	simm.s32 $0x8400;
	s15 =	sadd.s32 $0x280, s15;
	(pc) =	sbr.rel @!p0 .LBB2_18-.Ltmp11, $4  }
0x198: {  	[tilespmem:s16], [sflag:$0x2] =	stream.indirect.gather [hbm4b:s3+s14], $0x40, s15, s14, $0xb8;
	[tilespmem:$0x16C00] =	vst v63  }
0x199: {  	_ =	swait.ge [sflag:s28], $0x2000  }
0x19a: {  	[sflag:s28] =	ssyncset.done $0x0  }
0x19b: {  	[sflag:s28] =	ssyncadd.s32 $0xFFFFE000  }
.LBB2_16:
0x19c: {  	_ =	swait.ge [sflag:s29], $0x400  }
0x19d: {  	[sflag:s29] =	ssyncset.done $0x0  }
0x19e: {  	[sflag:s29] =	ssyncadd.s32 $0xFFFFFC00  }
0x19f: {  	_ =	swait.ge [sflag:s29], $0x400  }
0x1a0: {  	[sflag:s29] =	ssyncset.done $0x0  }
0x1a1: {  	[sflag:s29] =	ssyncadd.s32 $0xFFFFFC00  }
0x1a2: {  	_ =	swait.ge [sflag:s29], $0x400  }
0x1a3: {  	[sflag:s29] =	ssyncset.done $0x0  }
0x1a4: {  	[sflag:s29] =	ssyncadd.s32 $0xFFFFFC00  }
0x1a5: {  	_ =	swait.ge [sflag:s29], $0x400  }
0x1a6: {  	[sflag:s29] =	ssyncset.done $0x0  }
0x1a7: {  	[sflag:s29] =	ssyncadd.s32 $0xFFFFFC00  }
0x1a8: {  	_ =	swait.ge [sflag:s29], $0x400  }
0x1a9: {  	[sflag:s29] =	ssyncset.done $0x0  }
0x1aa: {  	[sflag:s29] =	ssyncadd.s32 $0xFFFFFC00  }
0x1ab: {  	_ =	swait.ge [sflag:s29], $0x400  }
0x1ac: {  	[sflag:s29] =	ssyncset.done $0x0  }
0x1ad: {  	[sflag:s29] =	ssyncadd.s32 $0xFFFFFC00  }
0x1ae: {  	_ =	swait.ge [sflag:s29], $0x400  }
0x1af: {  	[sflag:s29] =	ssyncset.done $0x0  }
0x1b0: {  	[sflag:s29] =	ssyncadd.s32 $0xFFFFFC00  }
0x1b1: {  	_ =	swait.ge [sflag:s29], $0x400  }
0x1b2: {  	[sflag:s29] =	ssyncset.done $0x0  }
0x1b3: {  	[sflag:s29] =	ssyncadd.s32 $0xFFFFFC00  }
.LBB2_18:
0x1b4: {  	s18 =	simm.s32 $0xA480;
	s16 =	simm.s32 $0x3  }
0x1b5: {  	v4 =	vmov s16;
	v5 =	vld [tilespmem:s18+$0x40]  }
0x1b6: {  	v9 =	vand.u32 $0x7F, v4  }
0x1b7: {  	s15 =	simm.s32 $0x0;
	v4 =	vadd.s32 v0, v9  }
0x1b8: {  	s19 =	simm.s32 $0x1;
	s20 =	simm.s32 $0x2;
	v6 =	vmov s15;
	v7 =	vld [tilespmem:s18+$0xFFFFFF80]  }
0x1b9: {  	v10 =	vld [tilespmem:s18+$0xFFFFFFC0];
	v11 =	vmov s20;
	v8 =	vand.u32 $0x7C, v6;
	v6 =	vmov s19  }
0x1ba: {  	v12 =	vadd.s32 v0, v8;
	v15 =	vand.u32 $0x7D, v6;
	v6 =	vld [tilespmem:s18+$0x0];
	v5 =	vmul.f32 $8.000000000e+00, v5  }
0x1bb: {  	v17 =	vand.u32 $0x7E, v11;
	v13 =	vadd.s32 v0, v15  }
0x1bc: {  	v11 =	vadd.s32 v0, v17;
	[tilespmem:v4+s30+$0x0] =	vst.idx.msk $0xffff, v5  }
0x1bd: {  	v4 =	vmul.f32 $8.000000000e+00, v7;
	v5 =	vld [tilespmem:s18+$0x50]  }
0x1be: {  	v7 =	vmul.f32 $8.000000000e+00, v10  }
0x1bf: {  	[tilespmem:v12+s30+$0x0] =	vst.idx.msk $0xffff, v4;
	v4 =	vmul.f32 $8.000000000e+00, v6;
	v6 =	vadd.s32 v1, v9  }
0x1c0: {  	[tilespmem:v13+s30+$0x0] =	vst.idx.msk $0xffff, v7;
	v10 =	vld [tilespmem:s18+$0xFFFFFF90]  }
0x1c1: {  	v7 =	vld [tilespmem:s18+$0xFFFFFFD0];
	[tilespmem:v11+s30+$0x0] =	vst.idx.msk $0xffff, v4  }
0x1c2: {  	v11 =	vld [tilespmem:s18+$0x10];
	v4 =	vmul.f32 $8.000000000e+00, v5  }
0x1c3: {  	s21 =	simm.s32 $0x4;
	s17 =	simm.s32 $0x7;
	s16 =	simm.s32 $0xA580;
	v12 =	vadd.s32 v1, v15  }
0x1c4: {  	v14 =	vld [tilespmem:s16+$0x40];
	v13 =	vadd.s32 v1, v17;
	v5 =	vmov s21;
	[tilespmem:v6+s30+$0x0] =	vst.idx.msk $0xffff, v4;
	v6 =	vmov s17  }
0x1c5: {  	v16 =	vadd.s32 v1, v8;
	v4 =	vand.u32 $0x7C, v5;
	v5 =	vand.u32 $0x7F, v6;
	v18 =	vld [tilespmem:s18+$0x60]  }
0x1c6: {  	s19 =	simm.s32 $0x5;
	v19 =	vld [tilespmem:s16+$0xFFFFFF80];
	v22 =	vadd.s32 v2, v9;
	v6 =	vmul.f32 $8.000000000e+00, v7;
	v20 =	vadd.s32 v0, v5  }
0x1c7: {  	s20 =	simm.s32 $0x6;
	v21 =	vld [tilespmem:s16+$0xFFFFFFC0];
	v10 =	vmul.f32 $8.000000000e+00, v10;
	v7 =	vmul.f32 $8.000000000e+00, v11;
	v11 =	vmov s19  }
0x1c8: {  	v23 =	vadd.s32 v0, v4;
	[tilespmem:v12+s30+$0x0] =	vst.idx.msk $0xffff, v6;
	v12 =	vmov s20;
	v6 =	vand.u32 $0x7D, v11;
	v11 =	vld [tilespmem:s16+$0x0]  }
0x1c9: {  	[tilespmem:v13+s30+$0x0] =	vst.idx.msk $0xffff, v7;
	v13 =	vadd.s32 v0, v6;
	v7 =	vand.u32 $0x7E, v12;
	v12 =	vmul.f32 $8.000000000e+00, v14;
	v14 =	vld [tilespmem:s18+$0xFFFFFFE0]  }
0x1ca: {  	[tilespmem:v16+s30+$0x0] =	vst.idx.msk $0xffff, v10;
	v10 =	vadd.s32 v0, v7;
	v16 =	vld [tilespmem:s18+$0x20];
	v18 =	vmul.f32 $8.000000000e+00, v18  }
0x1cb: {  	v19 =	vmul.f32 $8.000000000e+00, v19;
	[tilespmem:v20+s30+$0x0] =	vst.idx.msk $0xffff, v12;
	v12 =	vld [tilespmem:s18+$0xFFFFFFA0];
	v20 =	vadd.s32 v2, v15  }
0x1cc: {  	v25 =	vadd.s32 v2, v17;
	v21 =	vmul.f32 $8.000000000e+00, v21;
	v24 =	vld [tilespmem:s16+$0x50];
	[tilespmem:v22+s30+$0x0] =	vst.idx.msk $0xffff, v18  }
0x1cd: {  	[tilespmem:v23+s30+$0x0] =	vst.idx.msk $0xffff, v19;
	v19 =	vadd.s32 v2, v8;
	v11 =	vmul.f32 $8.000000000e+00, v11;
	v22 =	vld [tilespmem:s18+$0x70]  }
0x1ce: {  	v23 =	vld [tilespmem:s16+$0xFFFFFF90];
	[tilespmem:v13+s30+$0x0] =	vst.idx.msk $0xffff, v21;
	v21 =	vadd.s32 v1, v5;
	v14 =	vmul.f32 $8.000000000e+00, v14  }
0x1cf: {  	v27 =	vadd.s32 v3, v9;
	v26 =	vld [tilespmem:s16+$0xFFFFFFD0];
	[tilespmem:v10+s30+$0x0] =	vst.idx.msk $0xffff, v11;
	v10 =	vmul.f32 $8.000000000e+00, v16  }
0x1d0: {  	v18 =	vadd.s32 v1, v4;
	v13 =	vld [tilespmem:s16+$0x10];
	v9 =	vmul.f32 $8.000000000e+00, v12;
	[tilespmem:v20+s30+$0x0] =	vst.idx.msk $0xffff, v14  }
0x1d1: {  	s17 =	simm.s32 $0x8;
	v16 =	vadd.s32 v1, v6;
	[tilespmem:v25+s30+$0x0] =	vst.idx.msk $0xffff, v10;
	v14 =	vmul.f32 $8.000000000e+00, v24;
	v12 =	vld [tilespmem:s18+$0xFFFFFFF0]  }
0x1d2: {  	v20 =	vmov s17;
	v10 =	vadd.s32 v1, v7;
	v11 =	vld [tilespmem:s18+$0x30];
	[tilespmem:v19+s30+$0x0] =	vst.idx.msk $0xffff, v9;
	v63 =	vmul.f32 $8.000000000e+00, v22  }
0x1d3: {  	s21 =	simm.s32 $0xB;
	s19 =	simm.s32 $0xA680;
	v15 =	vadd.s32 v3, v15;
	v9 =	vand.u32 $0x7C, v20;
	v20 =	vmul.f32 $8.000000000e+00, v23;
	[tilespmem:v21+s30+$0x0] =	vst.idx.msk $0xffff, v14;
	v14 =	vld [tilespmem:s18+$0xFFFFFFB0]  }
0x1d4: {  	v17 =	vadd.s32 v3, v17;
	v22 =	vmov s21;
	v19 =	vld [tilespmem:s19+$0x40];
	s18 =	simm.s32 $0xC;
	v21 =	vmul.f32 $8.000000000e+00, v26;
	[tilespmem:v27+s30+$0x0] =	vst.idx.msk $0xffff, v63  }
.LBB2_19:
0x1d5: {  	p2 =	slt.u32 s18, $0x7C;
	s15 =	sadd.s32 $0x1, s17;
	v22 =	vand.u32 $0x7F, v22;
	[tilespmem:v18+s30+$0x0] =	vst.idx.msk $0xffff, v20;
	v13 =	vmul.f32 $8.000000000e+00, v13;
	v18 =	vld [tilespmem:s16+$0x60];
	v20 =	vadd.s32 v3, v8;
	v8 =	vmovc v4  }
0x1d6: {  	v4 =	vmovc v9;
	v23 =	vld [tilespmem:s19+$0xFFFFFF80];
	v24 =	vmov s15;
	s15 =	sadd.s32 $0x2, s17;
	v25 =	vadd.s32 v0, v22;
	[tilespmem:v16+s30+$0x0] =	vst.idx.msk $0xffff, v21;
	v12 =	vmul.f32 $8.000000000e+00, v12;
	s17 =	smov.u32 s18  }
0x1d7: {  	v9 =	vld [tilespmem:s19+$0xFFFFFFC0];
	v16 =	vmov s15;
	[tilespmem:v10+s30+$0x0] =	vst.idx.msk $0xffff, v13;
	v10 =	vadd.s32 v2, v5;
	v11 =	vmul.f32 $8.000000000e+00, v11  }
0x1d8: {  	v13 =	vadd.s32 v0, v4;
	v21 =	vand.u32 $0x7D, v24;
	v24 =	vld [tilespmem:s19+$0x0];
	v14 =	vmul.f32 $8.000000000e+00, v14;
	[tilespmem:v15+s30+$0x0] =	vst.idx.msk $0xffff, v12  }
0x1d9: {  	v12 =	vadd.s32 v0, v21;
	v26 =	vand.u32 $0x7E, v16;
	v15 =	vmul.f32 $8.000000000e+00, v19;
	v16 =	vld [tilespmem:s16+$0xFFFFFFE0];
	[tilespmem:v17+s30+$0x0] =	vst.idx.msk $0xffff, v11  }
0x1da: {  	v11 =	vadd.s32 v0, v26;
	v17 =	vld [tilespmem:s16+$0x20];
	v18 =	vmul.f32 $8.000000000e+00, v18;
	[tilespmem:v20+s30+$0x0] =	vst.idx.msk $0xffff, v14  }
0x1db: {  	v19 =	vadd.s32 v2, v6;
	v14 =	vmul.f32 $8.000000000e+00, v23;
	[tilespmem:v25+s30+$0x0] =	vst.idx.msk $0xffff, v15;
	v15 =	vld [tilespmem:s16+$0xFFFFFFA0]  }
0x1dc: {  	v23 =	vadd.s32 v2, v7;
	v9 =	vmul.f32 $8.000000000e+00, v9;
	v20 =	vld [tilespmem:s19+$0x50];
	[tilespmem:v10+s30+$0x0] =	vst.idx.msk $0xffff, v18  }
0x1dd: {  	[tilespmem:v13+s30+$0x0] =	vst.idx.msk $0xffff, v14;
	v10 =	vmul.f32 $8.000000000e+00, v24;
	v14 =	vadd.s32 v2, v8;
	v24 =	vld [tilespmem:s16+$0x70]  }
0x1de: {  	v27 =	vadd.s32 v1, v22;
	v25 =	vld [tilespmem:s19+$0xFFFFFF90];
	[tilespmem:v12+s30+$0x0] =	vst.idx.msk $0xffff, v9;
	v9 =	vmul.f32 $8.000000000e+00, v16  }
0x1df: {  	v29 =	vadd.s32 v3, v5;
	v5 =	vmov v22;
	v28 =	vld [tilespmem:s19+$0xFFFFFFD0];
	[tilespmem:v11+s30+$0x0] =	vst.idx.msk $0xffff, v10;
	v10 =	vmul.f32 $8.000000000e+00, v17  }
.Ltmp12:
0x1e0: {  	v18 =	vadd.s32 v1, v4;
	v13 =	vld [tilespmem:s19+$0x10];
	v11 =	vmul.f32 $8.000000000e+00, v15;
	[tilespmem:v19+s30+$0x0] =	vst.idx.msk $0xffff, v9;
	(pc) =	sbr.rel @p2 .LBB2_19-.Ltmp12, $4  }
0x1e1: {  	v16 =	vadd.s32 v1, v21;
	v15 =	vmul.f32 $8.000000000e+00, v20;
	v12 =	vld [tilespmem:s16+$0xFFFFFFF0];
	[tilespmem:v23+s30+$0x0] =	vst.idx.msk $0xffff, v10  }
0x1e2: {  	v9 =	vmov s18;
	v10 =	vadd.s32 v1, v26;
	[tilespmem:v14+s30+$0x0] =	vst.idx.msk $0xffff, v11;
	v11 =	vld [tilespmem:s16+$0x30];
	v23 =	vmul.f32 $8.000000000e+00, v24  }
0x1e3: {  	s15 =	sadd.s32 $0x3, s18;
	v9 =	vand.u32 $0x7C, v9;
	v20 =	vmul.f32 $8.000000000e+00, v25;
	[tilespmem:v27+s30+$0x0] =	vst.idx.msk $0xffff, v15;
	v14 =	vld [tilespmem:s16+$0xFFFFFFB0];
	v15 =	vadd.s32 v3, v6;
	v6 =	vmovc v21;
	s16 =	smov.u32 s19;
	s19 =	sadd.s32 $0x100, s19  }
0x1e4: {  	v22 =	vmov s15;
	v17 =	vadd.s32 v3, v7;
	v7 =	vmovc v26;
	s18 =	sadd.s32 $0x4, s18;
	v19 =	vld [tilespmem:s19+$0x40];
	v21 =	vmul.f32 $8.000000000e+00, v28;
	[tilespmem:v29+s30+$0x0] =	vst.idx.msk $0xffff, v23  }
0x1e5: {  	s15 =	sadd.s32 $0x1, s17;
	v22 =	vand.u32 $0x7F, v22;
	v28 =	vld [tilespmem:s19+$0xFFFFFF80]  }
0x1e6: {  	s21 =	sadd.s32 $0x2, s17;
	v24 =	vld [tilespmem:s19+$0xFFFFFFC0];
	v23 =	vmov s15;
	v25 =	vadd.s32 v0, v22  }
0x1e7: {  	v27 =	vld [tilespmem:s19+$0x0];
	v51 =	vadd.s32 v0, v9;
	v26 =	vmov s21;
	v23 =	vand.u32 $0x7D, v23  }
0x1e8: {  	v26 =	vand.u32 $0x7E, v26;
	v29 =	vadd.s32 v0, v23  }
0x1e9: {  	[tilespmem:v18+s30+$0x0] =	vst.idx.msk $0xffff, v20;
	v30 =	vadd.s32 v0, v26;
	v19 =	vmul.f32 $8.000000000e+00, v19  }
0x1ea: {  	[tilespmem:v16+s30+$0x0] =	vst.idx.msk $0xffff, v21;
	v54 =	vmul.f32 $8.000000000e+00, v28  }
0x1eb: {  	v52 =	vmul.f32 $8.000000000e+00, v24;
	[tilespmem:v25+s30+$0x0] =	vst.idx.msk $0xffff, v19  }
0x1ec: {  	v53 =	vmul.f32 $8.000000000e+00, v27;
	v55 =	vld [tilespmem:s19+$0x50];
	[tilespmem:v51+s30+$0x0] =	vst.idx.msk $0xffff, v54  }
0x1ed: {  	v13 =	vmul.f32 $8.000000000e+00, v13;
	v8 =	vadd.s32 v3, v8;
	[tilespmem:v29+s30+$0x0] =	vst.idx.msk $0xffff, v52;
	v59 =	vld [tilespmem:s19+$0xFFFFFF90]  }
0x1ee: {  	v12 =	vmul.f32 $8.000000000e+00, v12;
	v57 =	vadd.s32 v1, v22;
	[tilespmem:v30+s30+$0x0] =	vst.idx.msk $0xffff, v53;
	v56 =	vld [tilespmem:s19+$0xFFFFFFD0]  }
0x1ef: {  	[tilespmem:v10+s30+$0x0] =	vst.idx.msk $0xffff, v13;
	v58 =	vmul.f32 $8.000000000e+00, v11;
	v28 =	vadd.s32 v1, v9;
	v19 =	vld [tilespmem:s19+$0x10]  }
0x1f0: {  	v61 =	vld [tilespmem:s16+$0x60];
	v60 =	vadd.s32 v1, v23;
	v14 =	vmul.f32 $8.000000000e+00, v14;
	[tilespmem:v15+s30+$0x0] =	vst.idx.msk $0xffff, v12  }
0x1f1: {  	v32 =	vld [tilespmem:s16+$0xFFFFFFA0];
	v62 =	vadd.s32 v1, v26;
	[tilespmem:v17+s30+$0x0] =	vst.idx.msk $0xffff, v58;
	v16 =	vmul.f32 $8.000000000e+00, v55  }
0x1f2: {  	[tilespmem:v8+s30+$0x0] =	vst.idx.msk $0xffff, v14;
	v29 =	vadd.s32 v2, v5;
	v30 =	vld [tilespmem:s16+$0x20];
	v11 =	vmul.f32 $8.000000000e+00, v59  }
0x1f3: {  	v38 =	vadd.s32 v2, v4;
	v63 =	vld [tilespmem:s16+$0xFFFFFFE0];
	v31 =	vmul.f32 $8.000000000e+00, v56;
	[tilespmem:v57+s30+$0x0] =	vst.idx.msk $0xffff, v16  }
0x1f4: {  	v35 =	vadd.s32 v2, v7;
	v34 =	vmul.f32 $8.000000000e+00, v19;
	v36 =	vld [tilespmem:s19+$0x60];
	[tilespmem:v28+s30+$0x0] =	vst.idx.msk $0xffff, v11  }
0x1f5: {  	v33 =	vadd.s32 v2, v6;
	v37 =	vmul.f32 $8.000000000e+00, v61;
	[tilespmem:v60+s30+$0x0] =	vst.idx.msk $0xffff, v31;
	v43 =	vld [tilespmem:s19+$0xFFFFFFA0]  }
0x1f6: {  	v40 =	vadd.s32 v2, v22;
	v14 =	vmul.f32 $8.000000000e+00, v32;
	[tilespmem:v62+s30+$0x0] =	vst.idx.msk $0xffff, v34;
	v39 =	vld [tilespmem:s19+$0xFFFFFFE0]  }
0x1f7: {  	v48 =	vadd.s32 v2, v9;
	[tilespmem:v29+s30+$0x0] =	vst.idx.msk $0xffff, v37;
	v42 =	vmul.f32 $8.000000000e+00, v30;
	v41 =	vld [tilespmem:s19+$0x20]  }
0x1f8: {  	v44 =	vadd.s32 v2, v23;
	v15 =	vmul.f32 $8.000000000e+00, v63;
	[tilespmem:v38+s30+$0x0] =	vst.idx.msk $0xffff, v14;
	v45 =	vld [tilespmem:s16+$0x70]  }
0x1f9: {  	v46 =	vadd.s32 v2, v26;
	v14 =	vld [tilespmem:s16+$0xFFFFFFB0];
	[tilespmem:v35+s30+$0x0] =	vst.idx.msk $0xffff, v42;
	v47 =	vmul.f32 $8.000000000e+00, v36  }
0x1fa: {  	v5 =	vadd.s32 v3, v5;
	[tilespmem:v33+s30+$0x0] =	vst.idx.msk $0xffff, v15;
	v49 =	vld [tilespmem:s16+$0x30];
	v53 =	vmul.f32 $8.000000000e+00, v43  }
0x1fb: {  	v4 =	vadd.s32 v3, v4;
	v21 =	vld [tilespmem:s16+$0xFFFFFFF0];
	v12 =	vmul.f32 $8.000000000e+00, v39;
	[tilespmem:v40+s30+$0x0] =	vst.idx.msk $0xffff, v47  }
0x1fc: {  	v52 =	vadd.s32 v3, v7;
	v51 =	vmul.f32 $8.000000000e+00, v41;
	v10 =	vld [tilespmem:s19+$0x70];
	[tilespmem:v48+s30+$0x0] =	vst.idx.msk $0xffff, v53  }
0x1fd: {  	v50 =	vadd.s32 v3, v6;
	v54 =	vmul.f32 $8.000000000e+00, v45;
	[tilespmem:v44+s30+$0x0] =	vst.idx.msk $0xffff, v12;
	v59 =	vld [tilespmem:s19+$0xFFFFFFB0]  }
0x1fe: {  	v57 =	vadd.s32 v3, v22;
	v14 =	vmul.f32 $8.000000000e+00, v14;
	[tilespmem:v46+s30+$0x0] =	vst.idx.msk $0xffff, v51;
	v55 =	vld [tilespmem:s19+$0xFFFFFFF0]  }
0x1ff: {  	v62 =	vadd.s32 v3, v9;
	[tilespmem:v5+s30+$0x0] =	vst.idx.msk $0xffff, v54;
	v5 =	vmul.f32 $8.000000000e+00, v49;
	v58 =	vld [tilespmem:s19+$0x30]  }
0x200: {  	v56 =	vmul.f32 $8.000000000e+00, v21;
	v60 =	vadd.s32 v3, v23;
	[tilespmem:v4+s30+$0x0] =	vst.idx.msk $0xffff, v14  }
0x201: {  	v61 =	vadd.s32 v3, v26;
	[tilespmem:v52+s30+$0x0] =	vst.idx.msk $0xffff, v5;
	v5 =	vmul.f32 $8.000000000e+00, v10  }
0x202: {  	[tilespmem:v50+s30+$0x0] =	vst.idx.msk $0xffff, v56;
	v63 =	vmul.f32 $8.000000000e+00, v59  }
0x203: {  	v4 =	vmul.f32 $8.000000000e+00, v55;
	[tilespmem:v57+s30+$0x0] =	vst.idx.msk $0xffff, v5  }
0x204: {  	v5 =	vmul.f32 $8.000000000e+00, v58;
	[tilespmem:v62+s30+$0x0] =	vst.idx.msk $0xffff, v63  }
0x205: {  	[tilespmem:v60+s30+$0x0] =	vst.idx.msk $0xffff, v4  }
0x206: {  	s17 =	simm.s32 $0x12800;
	[tilespmem:v61+s30+$0x0] =	vst.idx.msk $0xffff, v5  }
0x207: {  	[hbm4b:s11+s2] =	stream.linear.scatter [tilespmem:s17], [sflag:$0x7], $0x80, $0x38;
	[tilespmem:$0x16C00] =	vst v63  }
0x208: {  	s18 =	simm.s32 $0x12888;
	s19 =	sadd.s32 $0x10, s11  }
0x209: {  	[hbm4b:s19+s2] =	stream.linear.scatter [tilespmem:s18], [sflag:$0x7], $0x80, $0x38;
	[tilespmem:$0x16C00] =	vst v63  }
0x20a: {  	s20 =	simm.s32 $0x12910;
	s21 =	sadd.s32 $0x20, s11  }
0x20b: {  	[hbm4b:s21+s2] =	stream.linear.scatter [tilespmem:s20], [sflag:$0x7], $0x80, $0x38;
	[tilespmem:$0x16C00] =	vst v63  }
0x20c: {  	s16 =	simm.s32 $0x12998;
	s17 =	sadd.s32 $0x30, s11  }
0x20d: {  	[hbm4b:s17+s2] =	stream.linear.scatter [tilespmem:s16], [sflag:$0x7], $0x80, $0x38;
	[tilespmem:$0x16C00] =	vst v63  }
0x20e: {  	s18 =	simm.s32 $0x12A20;
	s19 =	sadd.s32 $0x40, s11  }
0x20f: {  	[hbm4b:s19+s2] =	stream.linear.scatter [tilespmem:s18], [sflag:$0x7], $0x80, $0x38;
	[tilespmem:$0x16C00] =	vst v63  }
0x210: {  	s20 =	simm.s32 $0x12AA8;
	s21 =	sadd.s32 $0x50, s11  }
0x211: {  	[hbm4b:s21+s2] =	stream.linear.scatter [tilespmem:s20], [sflag:$0x7], $0x80, $0x38;
	[tilespmem:$0x16C00] =	vst v63  }
0x212: {  	s17 =	simm.s32 $0x12B30;
	s18 =	sadd.s32 $0x60, s11  }
0x213: {  	[hbm4b:s18+s2] =	stream.linear.scatter [tilespmem:s17], [sflag:$0x7], $0x80, $0x38;
	[tilespmem:$0x16C00] =	vst v63  }
0x214: {  	s19 =	simm.s32 $0x12BB8;
	s20 =	sadd.s32 $0x70, s11  }
0x215: {  	[hbm4b:s20+s2] =	stream.linear.scatter [tilespmem:s19], [sflag:$0x7], $0x80, $0x38;
	[tilespmem:$0x16C00] =	vst v63  }
0x216: {  	s21 =	simm.s32 $0x12C40  }
0x217: {  	[hbm4b:s10+s2] =	stream.linear.scatter [tilespmem:s21], [sflag:$0x7], $0x80, $0x38;
	[tilespmem:$0x16C00] =	vst v63  }
0x218: {  	s16 =	simm.s32 $0x12CC8;
	s17 =	sadd.s32 $0x10, s10  }
0x219: {  	[hbm4b:s17+s2] =	stream.linear.scatter [tilespmem:s16], [sflag:$0x7], $0x80, $0x38;
	[tilespmem:$0x16C00] =	vst v63  }
0x21a: {  	p2 =	por $0x1, $0x1;
	s18 =	simm.s32 $0x12D50;
	s19 =	sadd.s32 $0x20, s10  }
0x21b: {  	[hbm4b:s19+s2] =	stream.linear.scatter [tilespmem:s18], [sflag:$0x7], $0x80, $0x38;
	[tilespmem:$0x16C00] =	vst v63  }
0x21c: {  	s15 =	simm.s32 $0x12FF8;
	s20 =	simm.s32 $0x12DD8;
	s21 =	sadd.s32 $0x30, s10  }
0x21d: {  	[hbm4b:s21+s2] =	stream.linear.scatter [tilespmem:s20], [sflag:$0x7], $0x80, $0x38;
	[tilespmem:$0x16C00] =	vst v63  }
0x21e: {  	s16 =	simm.s32 $0x12E60;
	s17 =	sadd.s32 $0x40, s10;
	s18 =	simm.s32 $0x12EE8  }
0x21f: {  	[hbm4b:s17+s2] =	stream.linear.scatter [tilespmem:s16], [sflag:$0x7], $0x80, $0x38;
	[tilespmem:$0x16C00] =	vst v63  }
.Ltmp13:
0x220: {  	s19 =	sadd.s32 $0x50, s10;
	s20 =	simm.s32 $0x12F70;
	(pc) =	sbr.rel @!p2 .LBB2_22-.Ltmp13, $4  }
0x221: {  	[hbm4b:s19+s2] =	stream.linear.scatter [tilespmem:s18], [sflag:$0x7], $0x80, $0x38;
	[tilespmem:$0x16C00] =	vst v63  }
0x222: {  	s21 =	sadd.s32 $0x60, s10;
	s16 =	simm.s32 $0x0;
	s17 =	sadd.s32 $0x2000, s11  }
0x223: {  	[hbm4b:s21+s2] =	stream.linear.scatter [tilespmem:s20], [sflag:$0x7], $0x80, $0x38;
	[tilespmem:$0x16C00] =	vst v63  }
0x224: {  	s18 =	sadd.s32 $0x2000, s10;
	s19 =	simm.s32 $0x134C0;
	s20 =	sadd.s32 $0x70, s10  }
.LBB2_21:
0x225: {  	[hbm4b:s20+s2] =	stream.linear.scatter [tilespmem:s15], [sflag:$0x7], $0x80, $0x38;
	[tilespmem:$0x16C00] =	vst v63  }
0x226: {  	s15 =	sadd.s32 $0xFFFFFBC0, s19;
	s16 =	sadd.s32 $0x2, s16;
	s20 =	smov.u32 s18  }
0x227: {  	[hbm4b:s17+s2] =	stream.linear.scatter [tilespmem:s15], [sflag:$0x7], $0x80, $0x38;
	[tilespmem:$0x16C00] =	vst v63  }
0x228: {  	s21 =	sadd.s32 $0x10, s17;
	p2 =	slt.u32 s16, $0x6;
	s15 =	sadd.s32 $0xFFFFFC48, s19  }
0x229: {  	[hbm4b:s21+s2] =	stream.linear.scatter [tilespmem:s15], [sflag:$0x7], $0x80, $0x38;
	[tilespmem:$0x16C00] =	vst v63  }
0x22a: {  	s15 =	sadd.s32 $0xFFFFFCD0, s19;
	s21 =	sadd.s32 $0x20, s17  }
0x22b: {  	[hbm4b:s21+s2] =	stream.linear.scatter [tilespmem:s15], [sflag:$0x7], $0x80, $0x38;
	[tilespmem:$0x16C00] =	vst v63  }
0x22c: {  	s15 =	sadd.s32 $0xFFFFFD58, s19;
	s21 =	sadd.s32 $0x30, s17  }
0x22d: {  	[hbm4b:s21+s2] =	stream.linear.scatter [tilespmem:s15], [sflag:$0x7], $0x80, $0x38;
	[tilespmem:$0x16C00] =	vst v63  }
0x22e: {  	s15 =	sadd.s32 $0xFFFFFDE0, s19;
	s21 =	sadd.s32 $0x40, s17  }
0x22f: {  	[hbm4b:s21+s2] =	stream.linear.scatter [tilespmem:s15], [sflag:$0x7], $0x80, $0x38;
	[tilespmem:$0x16C00] =	vst v63  }
0x230: {  	s15 =	sadd.s32 $0xFFFFFE68, s19;
	s21 =	sadd.s32 $0x50, s17  }
0x231: {  	[hbm4b:s21+s2] =	stream.linear.scatter [tilespmem:s15], [sflag:$0x7], $0x80, $0x38;
	[tilespmem:$0x16C00] =	vst v63  }
0x232: {  	s15 =	sadd.s32 $0xFFFFFEF0, s19;
	s21 =	sadd.s32 $0x60, s17  }
0x233: {  	[hbm4b:s21+s2] =	stream.linear.scatter [tilespmem:s15], [sflag:$0x7], $0x80, $0x38;
	[tilespmem:$0x16C00] =	vst v63  }
0x234: {  	s15 =	sadd.s32 $0xFFFFFF78, s19;
	s21 =	sadd.s32 $0x70, s17  }
0x235: {  	[hbm4b:s21+s2] =	stream.linear.scatter [tilespmem:s15], [sflag:$0x7], $0x80, $0x38;
	[tilespmem:$0x16C00] =	vst v63  }
0x236: {  	_ = 	snop  }
0x237: {  	[hbm4b:s18+s2] =	stream.linear.scatter [tilespmem:s19], [sflag:$0x7], $0x80, $0x38;
	[tilespmem:$0x16C00] =	vst v63  }
0x238: {  	s15 =	sadd.s32 $0x88, s19;
	s21 =	sadd.s32 $0x10, s18  }
0x239: {  	[hbm4b:s21+s2] =	stream.linear.scatter [tilespmem:s15], [sflag:$0x7], $0x80, $0x38;
	[tilespmem:$0x16C00] =	vst v63  }
0x23a: {  	s15 =	sadd.s32 $0x110, s19;
	s21 =	sadd.s32 $0x20, s18  }
0x23b: {  	[hbm4b:s21+s2] =	stream.linear.scatter [tilespmem:s15], [sflag:$0x7], $0x80, $0x38;
	[tilespmem:$0x16C00] =	vst v63  }
0x23c: {  	s15 =	sadd.s32 $0x198, s19;
	s21 =	sadd.s32 $0x30, s18  }
0x23d: {  	[hbm4b:s21+s2] =	stream.linear.scatter [tilespmem:s15], [sflag:$0x7], $0x80, $0x38;
	[tilespmem:$0x16C00] =	vst v63  }
0x23e: {  	s17 =	sadd.s32 $0x2000, s17;
	s15 =	sadd.s32 $0x220, s19;
	s21 =	sadd.s32 $0x40, s18  }
0x23f: {  	[hbm4b:s21+s2] =	stream.linear.scatter [tilespmem:s15], [sflag:$0x7], $0x80, $0x38;
	[tilespmem:$0x16C00] =	vst v63  }
.Ltmp14:
0x240: {  	s15 =	sadd.s32 $0x2A8, s19;
	s21 =	sadd.s32 $0x50, s18;
	(pc) =	sbr.rel @p2 .LBB2_21-.Ltmp14, $4  }
0x241: {  	[hbm4b:s21+s2] =	stream.linear.scatter [tilespmem:s15], [sflag:$0x7], $0x80, $0x38;
	[tilespmem:$0x16C00] =	vst v63  }
0x242: {  	s18 =	sadd.s32 $0x2000, s18;
	s15 =	sadd.s32 $0x330, s19;
	s21 =	sadd.s32 $0x60, s20  }
0x243: {  	[hbm4b:s21+s2] =	stream.linear.scatter [tilespmem:s15], [sflag:$0x7], $0x80, $0x38;
	[tilespmem:$0x16C00] =	vst v63  }
0x244: {  	s20 =	sadd.s32 $0x70, s20;
	s15 =	sadd.s32 $0x3B8, s19;
	s19 =	sadd.s32 $0x880, s19  }
.LBB2_22:
.Ltmp15:
0x245: {  	(pc) =	sbr.rel @p1 .LBB2_25-.Ltmp15, $2  }
0x246: {  	_ =	sdelay $0x2  }
0x247: {  	[hbm4b:s20+s2] =	stream.linear.scatter [tilespmem:s15], [sflag:$0x7], $0x80, $0x38;
	[tilespmem:$0x16C00] =	vst v63  }
.Ltmp16:
0x248: {  	(pc) =	sbr.rel .LBB2_24-.Ltmp16, $4  }
0x249: {  	_ = 	snop  }
0x24a: {  	_ =	swait.ge [sflag:s31], $0x2000  }
0x24b: {  	[sflag:s31] =	ssyncset.done $0x0  }
0x24c: {  	[sflag:s31] =	ssyncadd.s32 $0xFFFFE000  }
.LBB2_25:
0x24d: {  	s4 =	sand.u32 $0x3FFFFE00, s4  }
.Ltmp17:
0x24e: {  	s15 =	simm.s32 $0xA400;
	s4 =	sadd.s32 $0x300, s4;
	(pc) =	sbr.rel @!p0 .LBB2_26-.Ltmp17, $4  }
0x24f: {  	[tilespmem:s15], [sflag:$0x3] =	stream.indirect.gather [hbm4b:s3+s14], $0x40, s4, s14, $0xb8;
	[tilespmem:$0x16C00] =	vst v63  }
0x250: {  	_ =	swait.ge [sflag:s31], $0x2000  }
0x251: {  	[sflag:s31] =	ssyncset.done $0x0  }
0x252: {  	[sflag:s31] =	ssyncadd.s32 $0xFFFFE000  }
.LBB2_24:
0x253: {  	_ =	swait.ge [sflag:s0], $0x400  }
0x254: {  	[sflag:s0] =	ssyncset.done $0x0  }
0x255: {  	[sflag:s0] =	ssyncadd.s32 $0xFFFFFC00  }
0x256: {  	_ =	swait.ge [sflag:s0], $0x400  }
0x257: {  	[sflag:s0] =	ssyncset.done $0x0  }
0x258: {  	[sflag:s0] =	ssyncadd.s32 $0xFFFFFC00  }
0x259: {  	_ =	swait.ge [sflag:s0], $0x400  }
0x25a: {  	[sflag:s0] =	ssyncset.done $0x0  }
0x25b: {  	[sflag:s0] =	ssyncadd.s32 $0xFFFFFC00  }
0x25c: {  	_ =	swait.ge [sflag:s0], $0x400  }
0x25d: {  	[sflag:s0] =	ssyncset.done $0x0  }
0x25e: {  	[sflag:s0] =	ssyncadd.s32 $0xFFFFFC00  }
0x25f: {  	_ =	swait.ge [sflag:s0], $0x400  }
0x260: {  	[sflag:s0] =	ssyncset.done $0x0  }
0x261: {  	[sflag:s0] =	ssyncadd.s32 $0xFFFFFC00  }
0x262: {  	_ =	swait.ge [sflag:s0], $0x400  }
0x263: {  	[sflag:s0] =	ssyncset.done $0x0  }
0x264: {  	[sflag:s0] =	ssyncadd.s32 $0xFFFFFC00  }
0x265: {  	_ =	swait.ge [sflag:s0], $0x400  }
0x266: {  	[sflag:s0] =	ssyncset.done $0x0  }
0x267: {  	[sflag:s0] =	ssyncadd.s32 $0xFFFFFC00  }
0x268: {  	_ =	swait.ge [sflag:s0], $0x400  }
0x269: {  	[sflag:s0] =	ssyncset.done $0x0  }
0x26a: {  	[sflag:s0] =	ssyncadd.s32 $0xFFFFFC00  }
.LBB2_26:
0x26b: {  	s18 =	simm.s32 $0xC480;
	s15 =	simm.s32 $0x3  }
0x26c: {  	v4 =	vmov s15;
	v5 =	vld [tilespmem:s18+$0x40]  }
0x26d: {  	v9 =	vand.u32 $0x7F, v4  }
0x26e: {  	s4 =	simm.s32 $0x0;
	v4 =	vadd.s32 v0, v9  }
0x26f: {  	s16 =	simm.s32 $0x2;
	v6 =	vmov s4;
	s15 =	simm.s32 $0x1;
	v7 =	vld [tilespmem:s18+$0xFFFFFF80]  }
0x270: {  	v10 =	vld [tilespmem:s18+$0xFFFFFFC0];
	v11 =	vmov s16;
	v8 =	vand.u32 $0x7C, v6;
	v6 =	vmov s15  }
0x271: {  	v12 =	vadd.s32 v0, v8;
	v15 =	vand.u32 $0x7D, v6;
	v6 =	vld [tilespmem:s18+$0x0];
	v5 =	vmul.f32 $8.000000000e+00, v5  }
0x272: {  	v17 =	vand.u32 $0x7E, v11;
	v13 =	vadd.s32 v0, v15  }
0x273: {  	v11 =	vadd.s32 v0, v17;
	[tilespmem:v4+s1+$0x0] =	vst.idx.msk $0xffff, v5  }
0x274: {  	v4 =	vmul.f32 $8.000000000e+00, v7;
	v5 =	vld [tilespmem:s18+$0x50]  }
0x275: {  	v7 =	vmul.f32 $8.000000000e+00, v10  }
0x276: {  	[tilespmem:v12+s1+$0x0] =	vst.idx.msk $0xffff, v4;
	v4 =	vmul.f32 $8.000000000e+00, v6;
	v6 =	vadd.s32 v1, v9  }
0x277: {  	[tilespmem:v13+s1+$0x0] =	vst.idx.msk $0xffff, v7;
	v10 =	vld [tilespmem:s18+$0xFFFFFF90]  }
0x278: {  	v7 =	vld [tilespmem:s18+$0xFFFFFFD0];
	[tilespmem:v11+s1+$0x0] =	vst.idx.msk $0xffff, v4  }
0x279: {  	v11 =	vld [tilespmem:s18+$0x10];
	v4 =	vmul.f32 $8.000000000e+00, v5  }
0x27a: {  	s17 =	simm.s32 $0x4;
	s16 =	simm.s32 $0x7;
	s4 =	simm.s32 $0xC580;
	v12 =	vadd.s32 v1, v15  }
0x27b: {  	v14 =	vld [tilespmem:s4+$0x40];
	v13 =	vadd.s32 v1, v17;
	v5 =	vmov s17;
	[tilespmem:v6+s1+$0x0] =	vst.idx.msk $0xffff, v4;
	v6 =	vmov s16  }
0x27c: {  	v16 =	vadd.s32 v1, v8;
	v4 =	vand.u32 $0x7C, v5;
	v5 =	vand.u32 $0x7F, v6;
	v18 =	vld [tilespmem:s18+$0x60]  }
0x27d: {  	s19 =	simm.s32 $0x5;
	v19 =	vld [tilespmem:s4+$0xFFFFFF80];
	v22 =	vadd.s32 v2, v9;
	v6 =	vmul.f32 $8.000000000e+00, v7;
	v20 =	vadd.s32 v0, v5  }
0x27e: {  	s20 =	simm.s32 $0x6;
	v21 =	vld [tilespmem:s4+$0xFFFFFFC0];
	v10 =	vmul.f32 $8.000000000e+00, v10;
	v7 =	vmul.f32 $8.000000000e+00, v11;
	v11 =	vmov s19  }
0x27f: {  	v23 =	vadd.s32 v0, v4;
	[tilespmem:v12+s1+$0x0] =	vst.idx.msk $0xffff, v6;
	v12 =	vmov s20;
	v6 =	vand.u32 $0x7D, v11;
	v11 =	vld [tilespmem:s4+$0x0]  }
0x280: {  	[tilespmem:v13+s1+$0x0] =	vst.idx.msk $0xffff, v7;
	v13 =	vadd.s32 v0, v6;
	v7 =	vand.u32 $0x7E, v12;
	v12 =	vmul.f32 $8.000000000e+00, v14;
	v14 =	vld [tilespmem:s18+$0xFFFFFFE0]  }
0x281: {  	[tilespmem:v16+s1+$0x0] =	vst.idx.msk $0xffff, v10;
	v10 =	vadd.s32 v0, v7;
	v16 =	vld [tilespmem:s18+$0x20];
	v18 =	vmul.f32 $8.000000000e+00, v18  }
0x282: {  	v19 =	vmul.f32 $8.000000000e+00, v19;
	[tilespmem:v20+s1+$0x0] =	vst.idx.msk $0xffff, v12;
	v12 =	vld [tilespmem:s18+$0xFFFFFFA0];
	v20 =	vadd.s32 v2, v15  }
0x283: {  	v25 =	vadd.s32 v2, v17;
	v21 =	vmul.f32 $8.000000000e+00, v21;
	v24 =	vld [tilespmem:s4+$0x50];
	[tilespmem:v22+s1+$0x0] =	vst.idx.msk $0xffff, v18  }
0x284: {  	[tilespmem:v23+s1+$0x0] =	vst.idx.msk $0xffff, v19;
	v19 =	vadd.s32 v2, v8;
	v11 =	vmul.f32 $8.000000000e+00, v11;
	v22 =	vld [tilespmem:s18+$0x70]  }
0x285: {  	v23 =	vld [tilespmem:s4+$0xFFFFFF90];
	[tilespmem:v13+s1+$0x0] =	vst.idx.msk $0xffff, v21;
	v21 =	vadd.s32 v1, v5;
	v14 =	vmul.f32 $8.000000000e+00, v14  }
0x286: {  	v27 =	vadd.s32 v3, v9;
	v26 =	vld [tilespmem:s4+$0xFFFFFFD0];
	[tilespmem:v10+s1+$0x0] =	vst.idx.msk $0xffff, v11;
	v10 =	vmul.f32 $8.000000000e+00, v16  }
0x287: {  	v18 =	vadd.s32 v1, v4;
	v13 =	vld [tilespmem:s4+$0x10];
	v9 =	vmul.f32 $8.000000000e+00, v12;
	[tilespmem:v20+s1+$0x0] =	vst.idx.msk $0xffff, v14  }
0x288: {  	s17 =	simm.s32 $0x8;
	v16 =	vadd.s32 v1, v6;
	[tilespmem:v25+s1+$0x0] =	vst.idx.msk $0xffff, v10;
	v14 =	vmul.f32 $8.000000000e+00, v24;
	v12 =	vld [tilespmem:s18+$0xFFFFFFF0]  }
0x289: {  	v20 =	vmov s17;
	v10 =	vadd.s32 v1, v7;
	v11 =	vld [tilespmem:s18+$0x30];
	[tilespmem:v19+s1+$0x0] =	vst.idx.msk $0xffff, v9;
	v63 =	vmul.f32 $8.000000000e+00, v22  }
0x28a: {  	s21 =	simm.s32 $0xB;
	s16 =	simm.s32 $0xC680;
	v15 =	vadd.s32 v3, v15;
	v9 =	vand.u32 $0x7C, v20;
	v20 =	vmul.f32 $8.000000000e+00, v23;
	[tilespmem:v21+s1+$0x0] =	vst.idx.msk $0xffff, v14;
	v14 =	vld [tilespmem:s18+$0xFFFFFFB0]  }
0x28b: {  	v17 =	vadd.s32 v3, v17;
	v22 =	vmov s21;
	v19 =	vld [tilespmem:s16+$0x40];
	s18 =	simm.s32 $0xC;
	v21 =	vmul.f32 $8.000000000e+00, v26;
	[tilespmem:v27+s1+$0x0] =	vst.idx.msk $0xffff, v63  }
.LBB2_27:
0x28c: {  	p0 =	slt.u32 s18, $0x7C;
	s15 =	sadd.s32 $0x1, s17;
	v22 =	vand.u32 $0x7F, v22;
	[tilespmem:v18+s1+$0x0] =	vst.idx.msk $0xffff, v20;
	v13 =	vmul.f32 $8.000000000e+00, v13;
	v18 =	vld [tilespmem:s4+$0x60];
	v20 =	vadd.s32 v3, v8;
	v8 =	vmovc v4  }
0x28d: {  	v4 =	vmovc v9;
	v23 =	vld [tilespmem:s16+$0xFFFFFF80];
	v24 =	vmov s15;
	s15 =	sadd.s32 $0x2, s17;
	v25 =	vadd.s32 v0, v22;
	[tilespmem:v16+s1+$0x0] =	vst.idx.msk $0xffff, v21;
	v12 =	vmul.f32 $8.000000000e+00, v12;
	s17 =	smov.u32 s18  }
0x28e: {  	v9 =	vld [tilespmem:s16+$0xFFFFFFC0];
	v16 =	vmov s15;
	[tilespmem:v10+s1+$0x0] =	vst.idx.msk $0xffff, v13;
	v10 =	vadd.s32 v2, v5;
	v11 =	vmul.f32 $8.000000000e+00, v11  }
0x28f: {  	v13 =	vadd.s32 v0, v4;
	v21 =	vand.u32 $0x7D, v24;
	v24 =	vld [tilespmem:s16+$0x0];
	v14 =	vmul.f32 $8.000000000e+00, v14;
	[tilespmem:v15+s1+$0x0] =	vst.idx.msk $0xffff, v12  }
0x290: {  	v12 =	vadd.s32 v0, v21;
	v26 =	vand.u32 $0x7E, v16;
	v15 =	vmul.f32 $8.000000000e+00, v19;
	v16 =	vld [tilespmem:s4+$0xFFFFFFE0];
	[tilespmem:v17+s1+$0x0] =	vst.idx.msk $0xffff, v11  }
0x291: {  	v11 =	vadd.s32 v0, v26;
	v17 =	vld [tilespmem:s4+$0x20];
	v18 =	vmul.f32 $8.000000000e+00, v18;
	[tilespmem:v20+s1+$0x0] =	vst.idx.msk $0xffff, v14  }
0x292: {  	v19 =	vadd.s32 v2, v6;
	v14 =	vmul.f32 $8.000000000e+00, v23;
	[tilespmem:v25+s1+$0x0] =	vst.idx.msk $0xffff, v15;
	v15 =	vld [tilespmem:s4+$0xFFFFFFA0]  }
0x293: {  	v23 =	vadd.s32 v2, v7;
	v9 =	vmul.f32 $8.000000000e+00, v9;
	v20 =	vld [tilespmem:s16+$0x50];
	[tilespmem:v10+s1+$0x0] =	vst.idx.msk $0xffff, v18  }
0x294: {  	[tilespmem:v13+s1+$0x0] =	vst.idx.msk $0xffff, v14;
	v10 =	vmul.f32 $8.000000000e+00, v24;
	v14 =	vadd.s32 v2, v8;
	v24 =	vld [tilespmem:s4+$0x70]  }
0x295: {  	v27 =	vadd.s32 v1, v22;
	v25 =	vld [tilespmem:s16+$0xFFFFFF90];
	[tilespmem:v12+s1+$0x0] =	vst.idx.msk $0xffff, v9;
	v9 =	vmul.f32 $8.000000000e+00, v16  }
0x296: {  	v29 =	vadd.s32 v3, v5;
	v5 =	vmov v22;
	v28 =	vld [tilespmem:s16+$0xFFFFFFD0];
	[tilespmem:v11+s1+$0x0] =	vst.idx.msk $0xffff, v10;
	v10 =	vmul.f32 $8.000000000e+00, v17  }
.Ltmp18:
0x297: {  	v18 =	vadd.s32 v1, v4;
	v13 =	vld [tilespmem:s16+$0x10];
	v11 =	vmul.f32 $8.000000000e+00, v15;
	[tilespmem:v19+s1+$0x0] =	vst.idx.msk $0xffff, v9;
	(pc) =	sbr.rel @p0 .LBB2_27-.Ltmp18, $4  }
0x298: {  	v16 =	vadd.s32 v1, v21;
	v15 =	vmul.f32 $8.000000000e+00, v20;
	v12 =	vld [tilespmem:s4+$0xFFFFFFF0];
	[tilespmem:v23+s1+$0x0] =	vst.idx.msk $0xffff, v10  }
0x299: {  	v9 =	vmov s18;
	v10 =	vadd.s32 v1, v26;
	[tilespmem:v14+s1+$0x0] =	vst.idx.msk $0xffff, v11;
	v11 =	vld [tilespmem:s4+$0x30];
	v23 =	vmul.f32 $8.000000000e+00, v24  }
0x29a: {  	s15 =	sadd.s32 $0x3, s18;
	v9 =	vand.u32 $0x7C, v9;
	v20 =	vmul.f32 $8.000000000e+00, v25;
	[tilespmem:v27+s1+$0x0] =	vst.idx.msk $0xffff, v15;
	v14 =	vld [tilespmem:s4+$0xFFFFFFB0];
	v15 =	vadd.s32 v3, v6;
	v6 =	vmovc v21;
	s4 =	smov.u32 s16;
	s16 =	sadd.s32 $0x100, s16  }
0x29b: {  	v22 =	vmov s15;
	v17 =	vadd.s32 v3, v7;
	v7 =	vmovc v26;
	s18 =	sadd.s32 $0x4, s18;
	v19 =	vld [tilespmem:s16+$0x40];
	v21 =	vmul.f32 $8.000000000e+00, v28;
	[tilespmem:v29+s1+$0x0] =	vst.idx.msk $0xffff, v23  }
0x29c: {  	s15 =	sadd.s32 $0x1, s17;
	v22 =	vand.u32 $0x7F, v22;
	v28 =	vld [tilespmem:s16+$0xFFFFFF80]  }
0x29d: {  	s18 =	sadd.s32 $0x2, s17;
	v24 =	vld [tilespmem:s16+$0xFFFFFFC0];
	v23 =	vmov s15;
	v25 =	vadd.s32 v0, v22  }
0x29e: {  	v27 =	vld [tilespmem:s16+$0x0];
	v51 =	vadd.s32 v0, v9;
	v26 =	vmov s18;
	v23 =	vand.u32 $0x7D, v23  }
0x29f: {  	v26 =	vand.u32 $0x7E, v26;
	v29 =	vadd.s32 v0, v23  }
0x2a0: {  	[tilespmem:v18+s1+$0x0] =	vst.idx.msk $0xffff, v20;
	v30 =	vadd.s32 v0, v26;
	v19 =	vmul.f32 $8.000000000e+00, v19  }
0x2a1: {  	[tilespmem:v16+s1+$0x0] =	vst.idx.msk $0xffff, v21;
	v54 =	vmul.f32 $8.000000000e+00, v28  }
0x2a2: {  	v52 =	vmul.f32 $8.000000000e+00, v24;
	[tilespmem:v25+s1+$0x0] =	vst.idx.msk $0xffff, v19  }
0x2a3: {  	v53 =	vmul.f32 $8.000000000e+00, v27;
	v55 =	vld [tilespmem:s16+$0x50];
	[tilespmem:v51+s1+$0x0] =	vst.idx.msk $0xffff, v54  }
0x2a4: {  	v13 =	vmul.f32 $8.000000000e+00, v13;
	v8 =	vadd.s32 v3, v8;
	[tilespmem:v29+s1+$0x0] =	vst.idx.msk $0xffff, v52;
	v59 =	vld [tilespmem:s16+$0xFFFFFF90]  }
0x2a5: {  	v12 =	vmul.f32 $8.000000000e+00, v12;
	v57 =	vadd.s32 v1, v22;
	[tilespmem:v30+s1+$0x0] =	vst.idx.msk $0xffff, v53;
	v56 =	vld [tilespmem:s16+$0xFFFFFFD0]  }
0x2a6: {  	[tilespmem:v10+s1+$0x0] =	vst.idx.msk $0xffff, v13;
	v58 =	vmul.f32 $8.000000000e+00, v11;
	v28 =	vadd.s32 v1, v9;
	v19 =	vld [tilespmem:s16+$0x10]  }
0x2a7: {  	v61 =	vld [tilespmem:s4+$0x60];
	v60 =	vadd.s32 v1, v23;
	v14 =	vmul.f32 $8.000000000e+00, v14;
	[tilespmem:v15+s1+$0x0] =	vst.idx.msk $0xffff, v12  }
0x2a8: {  	v32 =	vld [tilespmem:s4+$0xFFFFFFA0];
	v62 =	vadd.s32 v1, v26;
	[tilespmem:v17+s1+$0x0] =	vst.idx.msk $0xffff, v58;
	v16 =	vmul.f32 $8.000000000e+00, v55  }
0x2a9: {  	[tilespmem:v8+s1+$0x0] =	vst.idx.msk $0xffff, v14;
	v29 =	vadd.s32 v2, v5;
	v30 =	vld [tilespmem:s4+$0x20];
	v11 =	vmul.f32 $8.000000000e+00, v59  }
0x2aa: {  	v38 =	vadd.s32 v2, v4;
	v63 =	vld [tilespmem:s4+$0xFFFFFFE0];
	v31 =	vmul.f32 $8.000000000e+00, v56;
	[tilespmem:v57+s1+$0x0] =	vst.idx.msk $0xffff, v16  }
0x2ab: {  	v35 =	vadd.s32 v2, v7;
	v34 =	vmul.f32 $8.000000000e+00, v19;
	v36 =	vld [tilespmem:s16+$0x60];
	[tilespmem:v28+s1+$0x0] =	vst.idx.msk $0xffff, v11  }
0x2ac: {  	v33 =	vadd.s32 v2, v6;
	v37 =	vmul.f32 $8.000000000e+00, v61;
	[tilespmem:v60+s1+$0x0] =	vst.idx.msk $0xffff, v31;
	v43 =	vld [tilespmem:s16+$0xFFFFFFA0]  }
0x2ad: {  	v40 =	vadd.s32 v2, v22;
	v14 =	vmul.f32 $8.000000000e+00, v32;
	[tilespmem:v62+s1+$0x0] =	vst.idx.msk $0xffff, v34;
	v39 =	vld [tilespmem:s16+$0xFFFFFFE0]  }
0x2ae: {  	v48 =	vadd.s32 v2, v9;
	[tilespmem:v29+s1+$0x0] =	vst.idx.msk $0xffff, v37;
	v42 =	vmul.f32 $8.000000000e+00, v30;
	v41 =	vld [tilespmem:s16+$0x20]  }
0x2af: {  	v44 =	vadd.s32 v2, v23;
	v15 =	vmul.f32 $8.000000000e+00, v63;
	[tilespmem:v38+s1+$0x0] =	vst.idx.msk $0xffff, v14;
	v45 =	vld [tilespmem:s4+$0x70]  }
0x2b0: {  	v46 =	vadd.s32 v2, v26;
	v14 =	vld [tilespmem:s4+$0xFFFFFFB0];
	[tilespmem:v35+s1+$0x0] =	vst.idx.msk $0xffff, v42;
	v47 =	vmul.f32 $8.000000000e+00, v36  }
0x2b1: {  	v5 =	vadd.s32 v3, v5;
	[tilespmem:v33+s1+$0x0] =	vst.idx.msk $0xffff, v15;
	v49 =	vld [tilespmem:s4+$0x30];
	v53 =	vmul.f32 $8.000000000e+00, v43  }
0x2b2: {  	v4 =	vadd.s32 v3, v4;
	v21 =	vld [tilespmem:s4+$0xFFFFFFF0];
	v12 =	vmul.f32 $8.000000000e+00, v39;
	[tilespmem:v40+s1+$0x0] =	vst.idx.msk $0xffff, v47  }
0x2b3: {  	v52 =	vadd.s32 v3, v7;
	v51 =	vmul.f32 $8.000000000e+00, v41;
	v10 =	vld [tilespmem:s16+$0x70];
	[tilespmem:v48+s1+$0x0] =	vst.idx.msk $0xffff, v53  }
0x2b4: {  	v50 =	vadd.s32 v3, v6;
	v54 =	vmul.f32 $8.000000000e+00, v45;
	[tilespmem:v44+s1+$0x0] =	vst.idx.msk $0xffff, v12;
	v59 =	vld [tilespmem:s16+$0xFFFFFFB0]  }
0x2b5: {  	v57 =	vadd.s32 v3, v22;
	v14 =	vmul.f32 $8.000000000e+00, v14;
	[tilespmem:v46+s1+$0x0] =	vst.idx.msk $0xffff, v51;
	v55 =	vld [tilespmem:s16+$0xFFFFFFF0]  }
0x2b6: {  	v62 =	vadd.s32 v3, v9;
	[tilespmem:v5+s1+$0x0] =	vst.idx.msk $0xffff, v54;
	v5 =	vmul.f32 $8.000000000e+00, v49;
	v58 =	vld [tilespmem:s16+$0x30]  }
0x2b7: {  	v56 =	vmul.f32 $8.000000000e+00, v21;
	v60 =	vadd.s32 v3, v23;
	[tilespmem:v4+s1+$0x0] =	vst.idx.msk $0xffff, v14  }
0x2b8: {  	v61 =	vadd.s32 v3, v26;
	[tilespmem:v52+s1+$0x0] =	vst.idx.msk $0xffff, v5;
	v5 =	vmul.f32 $8.000000000e+00, v10  }
0x2b9: {  	[tilespmem:v50+s1+$0x0] =	vst.idx.msk $0xffff, v56;
	v63 =	vmul.f32 $8.000000000e+00, v59  }
0x2ba: {  	v4 =	vmul.f32 $8.000000000e+00, v55;
	[tilespmem:v57+s1+$0x0] =	vst.idx.msk $0xffff, v5  }
0x2bb: {  	v5 =	vmul.f32 $8.000000000e+00, v58;
	[tilespmem:v62+s1+$0x0] =	vst.idx.msk $0xffff, v63  }
0x2bc: {  	[tilespmem:v60+s1+$0x0] =	vst.idx.msk $0xffff, v4  }
0x2bd: {  	s19 =	simm.s32 $0x14A00;
	[tilespmem:v61+s1+$0x0] =	vst.idx.msk $0xffff, v5  }
0x2be: {  	[hbm4b:s13+s2] =	stream.linear.scatter [tilespmem:s19], [sflag:$0x8], $0x80, $0x38;
	[tilespmem:$0x16C00] =	vst v63  }
0x2bf: {  	s20 =	simm.s32 $0x14A88;
	s21 =	sadd.s32 $0x10, s13  }
0x2c0: {  	[hbm4b:s21+s2] =	stream.linear.scatter [tilespmem:s20], [sflag:$0x8], $0x80, $0x38;
	[tilespmem:$0x16C00] =	vst v63  }
0x2c1: {  	s17 =	sadd.s32 $0x20, s13;
	s16 =	simm.s32 $0x14B10  }
0x2c2: {  	[hbm4b:s17+s2] =	stream.linear.scatter [tilespmem:s16], [sflag:$0x8], $0x80, $0x38;
	[tilespmem:$0x16C00] =	vst v63  }
0x2c3: {  	s18 =	simm.s32 $0x14B98;
	s19 =	sadd.s32 $0x30, s13  }
0x2c4: {  	[hbm4b:s19+s2] =	stream.linear.scatter [tilespmem:s18], [sflag:$0x8], $0x80, $0x38;
	[tilespmem:$0x16C00] =	vst v63  }
0x2c5: {  	s20 =	simm.s32 $0x14C20;
	s21 =	sadd.s32 $0x40, s13  }
0x2c6: {  	[hbm4b:s21+s2] =	stream.linear.scatter [tilespmem:s20], [sflag:$0x8], $0x80, $0x38;
	[tilespmem:$0x16C00] =	vst v63  }
0x2c7: {  	s16 =	simm.s32 $0x14CA8;
	s17 =	sadd.s32 $0x50, s13  }
0x2c8: {  	[hbm4b:s17+s2] =	stream.linear.scatter [tilespmem:s16], [sflag:$0x8], $0x80, $0x38;
	[tilespmem:$0x16C00] =	vst v63  }
0x2c9: {  	s18 =	simm.s32 $0x14D30;
	s19 =	sadd.s32 $0x60, s13  }
0x2ca: {  	[hbm4b:s19+s2] =	stream.linear.scatter [tilespmem:s18], [sflag:$0x8], $0x80, $0x38;
	[tilespmem:$0x16C00] =	vst v63  }
0x2cb: {  	s20 =	simm.s32 $0x14DB8;
	s21 =	sadd.s32 $0x70, s13  }
0x2cc: {  	[hbm4b:s21+s2] =	stream.linear.scatter [tilespmem:s20], [sflag:$0x8], $0x80, $0x38;
	[tilespmem:$0x16C00] =	vst v63  }
0x2cd: {  	s15 =	simm.s32 $0x14E40  }
0x2ce: {  	[hbm4b:s12+s2] =	stream.linear.scatter [tilespmem:s15], [sflag:$0x8], $0x80, $0x38;
	[tilespmem:$0x16C00] =	vst v63  }
0x2cf: {  	s16 =	simm.s32 $0x14EC8;
	s17 =	sadd.s32 $0x10, s12  }
0x2d0: {  	[hbm4b:s17+s2] =	stream.linear.scatter [tilespmem:s16], [sflag:$0x8], $0x80, $0x38;
	[tilespmem:$0x16C00] =	vst v63  }
0x2d1: {  	p0 =	por $0x1, $0x1;
	s18 =	simm.s32 $0x14F50;
	s19 =	sadd.s32 $0x20, s12  }
0x2d2: {  	[hbm4b:s19+s2] =	stream.linear.scatter [tilespmem:s18], [sflag:$0x8], $0x80, $0x38;
	[tilespmem:$0x16C00] =	vst v63  }
0x2d3: {  	s4 =	simm.s32 $0x0;
	s20 =	simm.s32 $0x14FD8;
	s21 =	sadd.s32 $0x30, s12  }
0x2d4: {  	[hbm4b:s21+s2] =	stream.linear.scatter [tilespmem:s20], [sflag:$0x8], $0x80, $0x38;
	[tilespmem:$0x16C00] =	vst v63  }
0x2d5: {  	s15 =	simm.s32 $0x151F8;
	s16 =	simm.s32 $0x15060;
	s17 =	sadd.s32 $0x40, s12  }
0x2d6: {  	[hbm4b:s17+s2] =	stream.linear.scatter [tilespmem:s16], [sflag:$0x8], $0x80, $0x38;
	[tilespmem:$0x16C00] =	vst v63  }
.Ltmp19:
0x2d7: {  	s18 =	simm.s32 $0x150E8;
	s19 =	sadd.s32 $0x50, s12;
	(pc) =	sbr.rel @!p0 .LBB2_30-.Ltmp19, $4  }
0x2d8: {  	s20 =	simm.s32 $0x15170;
	s21 =	sadd.s32 $0x60, s12;
	s16 =	sadd.s32 $0x2000, s13  }
0x2d9: {  	[hbm4b:s19+s2] =	stream.linear.scatter [tilespmem:s18], [sflag:$0x8], $0x80, $0x38;
	[tilespmem:$0x16C00] =	vst v63  }
0x2da: {  	s17 =	sadd.s32 $0x2000, s12;
	s19 =	sadd.s32 $0x70, s12;
	s18 =	simm.s32 $0x156C0  }
0x2db: {  	[hbm4b:s21+s2] =	stream.linear.scatter [tilespmem:s20], [sflag:$0x8], $0x80, $0x38;
	[tilespmem:$0x16C00] =	vst v63  }
.LBB2_29:
0x2dc: {  	[hbm4b:s19+s2] =	stream.linear.scatter [tilespmem:s15], [sflag:$0x8], $0x80, $0x38;
	[tilespmem:$0x16C00] =	vst v63  }
0x2dd: {  	s15 =	sadd.s32 $0xFFFFFBC0, s18;
	s4 =	sadd.s32 $0x2, s4;
	s19 =	smov.u32 s17  }
0x2de: {  	[hbm4b:s16+s2] =	stream.linear.scatter [tilespmem:s15], [sflag:$0x8], $0x80, $0x38;
	[tilespmem:$0x16C00] =	vst v63  }
0x2df: {  	s20 =	sadd.s32 $0x10, s16;
	p0 =	slt.u32 s4, $0x6;
	s15 =	sadd.s32 $0xFFFFFC48, s18  }
0x2e0: {  	[hbm4b:s20+s2] =	stream.linear.scatter [tilespmem:s15], [sflag:$0x8], $0x80, $0x38;
	[tilespmem:$0x16C00] =	vst v63  }
0x2e1: {  	s15 =	sadd.s32 $0xFFFFFCD0, s18;
	s20 =	sadd.s32 $0x20, s16  }
0x2e2: {  	[hbm4b:s20+s2] =	stream.linear.scatter [tilespmem:s15], [sflag:$0x8], $0x80, $0x38;
	[tilespmem:$0x16C00] =	vst v63  }
0x2e3: {  	s15 =	sadd.s32 $0xFFFFFD58, s18;
	s20 =	sadd.s32 $0x30, s16  }
0x2e4: {  	[hbm4b:s20+s2] =	stream.linear.scatter [tilespmem:s15], [sflag:$0x8], $0x80, $0x38;
	[tilespmem:$0x16C00] =	vst v63  }
0x2e5: {  	s15 =	sadd.s32 $0xFFFFFDE0, s18;
	s20 =	sadd.s32 $0x40, s16  }
0x2e6: {  	[hbm4b:s20+s2] =	stream.linear.scatter [tilespmem:s15], [sflag:$0x8], $0x80, $0x38;
	[tilespmem:$0x16C00] =	vst v63  }
0x2e7: {  	s15 =	sadd.s32 $0xFFFFFE68, s18;
	s20 =	sadd.s32 $0x50, s16  }
0x2e8: {  	[hbm4b:s20+s2] =	stream.linear.scatter [tilespmem:s15], [sflag:$0x8], $0x80, $0x38;
	[tilespmem:$0x16C00] =	vst v63  }
0x2e9: {  	s15 =	sadd.s32 $0xFFFFFEF0, s18;
	s20 =	sadd.s32 $0x60, s16  }
0x2ea: {  	[hbm4b:s20+s2] =	stream.linear.scatter [tilespmem:s15], [sflag:$0x8], $0x80, $0x38;
	[tilespmem:$0x16C00] =	vst v63  }
0x2eb: {  	s15 =	sadd.s32 $0xFFFFFF78, s18;
	s20 =	sadd.s32 $0x70, s16  }
0x2ec: {  	[hbm4b:s20+s2] =	stream.linear.scatter [tilespmem:s15], [sflag:$0x8], $0x80, $0x38;
	[tilespmem:$0x16C00] =	vst v63  }
0x2ed: {  	_ = 	snop  }
0x2ee: {  	[hbm4b:s17+s2] =	stream.linear.scatter [tilespmem:s18], [sflag:$0x8], $0x80, $0x38;
	[tilespmem:$0x16C00] =	vst v63  }
0x2ef: {  	s15 =	sadd.s32 $0x88, s18;
	s20 =	sadd.s32 $0x10, s17  }
0x2f0: {  	[hbm4b:s20+s2] =	stream.linear.scatter [tilespmem:s15], [sflag:$0x8], $0x80, $0x38;
	[tilespmem:$0x16C00] =	vst v63  }
0x2f1: {  	s15 =	sadd.s32 $0x110, s18;
	s20 =	sadd.s32 $0x20, s17  }
0x2f2: {  	[hbm4b:s20+s2] =	stream.linear.scatter [tilespmem:s15], [sflag:$0x8], $0x80, $0x38;
	[tilespmem:$0x16C00] =	vst v63  }
0x2f3: {  	s15 =	sadd.s32 $0x198, s18;
	s20 =	sadd.s32 $0x30, s17  }
0x2f4: {  	[hbm4b:s20+s2] =	stream.linear.scatter [tilespmem:s15], [sflag:$0x8], $0x80, $0x38;
	[tilespmem:$0x16C00] =	vst v63  }
0x2f5: {  	s16 =	sadd.s32 $0x2000, s16;
	s15 =	sadd.s32 $0x220, s18;
	s20 =	sadd.s32 $0x40, s17  }
0x2f6: {  	[hbm4b:s20+s2] =	stream.linear.scatter [tilespmem:s15], [sflag:$0x8], $0x80, $0x38;
	[tilespmem:$0x16C00] =	vst v63  }
.Ltmp20:
0x2f7: {  	s15 =	sadd.s32 $0x2A8, s18;
	s20 =	sadd.s32 $0x50, s17;
	(pc) =	sbr.rel @p0 .LBB2_29-.Ltmp20, $4  }
0x2f8: {  	[hbm4b:s20+s2] =	stream.linear.scatter [tilespmem:s15], [sflag:$0x8], $0x80, $0x38;
	[tilespmem:$0x16C00] =	vst v63  }
0x2f9: {  	s17 =	sadd.s32 $0x2000, s17;
	s15 =	sadd.s32 $0x330, s18;
	s20 =	sadd.s32 $0x60, s19  }
0x2fa: {  	[hbm4b:s20+s2] =	stream.linear.scatter [tilespmem:s15], [sflag:$0x8], $0x80, $0x38;
	[tilespmem:$0x16C00] =	vst v63  }
0x2fb: {  	s19 =	sadd.s32 $0x70, s19;
	s15 =	sadd.s32 $0x3B8, s18;
	s18 =	sadd.s32 $0x880, s18  }
.LBB2_30:
0x2fc: {  	s5 =	sadd.s32 $0x1, s5  }
0x2fd: {  	p0 =	sne.s32 s5, $0x32  }
.Ltmp21:
0x2fe: {  	_ = 	snop;
	(pc) =	sbr.rel @p0 .LBB2_2-.Ltmp21, $4  }
0x2ff: {  	[hbm4b:s19+s2] =	stream.linear.scatter [tilespmem:s15], [sflag:$0x8], $0x80, $0x38;
	[tilespmem:$0x16C00] =	vst v63  }
0x300: {  	s6 =	sadd.s32 $0x20000, s6;
	s7 =	sadd.s32 $0x20000, s7  }
0x301: {  	s8 =	sadd.s32 $0x20000, s8;
	s9 =	sadd.s32 $0x20000, s9;
	s10 =	sadd.s32 $0x20000, s10  }
0x302: {  	s11 =	sadd.s32 $0x20000, s11;
	s12 =	sadd.s32 $0x20000, s12;
	s13 =	sadd.s32 $0x20000, s13  }
0x303: {  	s4 =	simm.s32 $0x5  }
0x304: {  	_ =	swait.ge [sflag:s4], $0x400  }
0x305: {  	[sflag:s4] =	ssyncset.done $0x0  }
0x306: {  	[sflag:s4] =	ssyncadd.s32 $0xFFFFFC00  }
0x307: {  	_ =	swait.ge [sflag:s4], $0x400  }
0x308: {  	[sflag:s4] =	ssyncset.done $0x0  }
0x309: {  	[sflag:s4] =	ssyncadd.s32 $0xFFFFFC00  }
0x30a: {  	_ =	swait.ge [sflag:s4], $0x400  }
0x30b: {  	[sflag:s4] =	ssyncset.done $0x0  }
0x30c: {  	[sflag:s4] =	ssyncadd.s32 $0xFFFFFC00  }
0x30d: {  	_ =	swait.ge [sflag:s4], $0x400  }
0x30e: {  	[sflag:s4] =	ssyncset.done $0x0  }
0x30f: {  	[sflag:s4] =	ssyncadd.s32 $0xFFFFFC00  }
0x310: {  	_ =	swait.ge [sflag:s4], $0x400  }
0x311: {  	[sflag:s4] =	ssyncset.done $0x0  }
0x312: {  	[sflag:s4] =	ssyncadd.s32 $0xFFFFFC00  }
0x313: {  	_ =	swait.ge [sflag:s4], $0x400  }
0x314: {  	[sflag:s4] =	ssyncset.done $0x0  }
0x315: {  	[sflag:s4] =	ssyncadd.s32 $0xFFFFFC00  }
0x316: {  	_ =	swait.ge [sflag:s4], $0x400  }
0x317: {  	[sflag:s4] =	ssyncset.done $0x0  }
0x318: {  	[sflag:s4] =	ssyncadd.s32 $0xFFFFFC00  }
0x319: {  	_ =	swait.ge [sflag:s4], $0x400  }
0x31a: {  	[sflag:s4] =	ssyncset.done $0x0  }
0x31b: {  	[sflag:s4] =	ssyncadd.s32 $0xFFFFFC00  }
0x31c: {  	_ =	swait.ge [sflag:s25], $0x400  }
0x31d: {  	[sflag:s25] =	ssyncset.done $0x0  }
0x31e: {  	[sflag:s25] =	ssyncadd.s32 $0xFFFFFC00  }
0x31f: {  	_ =	swait.ge [sflag:s25], $0x400  }
0x320: {  	[sflag:s25] =	ssyncset.done $0x0  }
0x321: {  	[sflag:s25] =	ssyncadd.s32 $0xFFFFFC00  }
0x322: {  	_ =	swait.ge [sflag:s25], $0x400  }
0x323: {  	[sflag:s25] =	ssyncset.done $0x0  }
0x324: {  	[sflag:s25] =	ssyncadd.s32 $0xFFFFFC00  }
0x325: {  	_ =	swait.ge [sflag:s25], $0x400  }
0x326: {  	[sflag:s25] =	ssyncset.done $0x0  }
0x327: {  	[sflag:s25] =	ssyncadd.s32 $0xFFFFFC00  }
0x328: {  	_ =	swait.ge [sflag:s25], $0x400  }
0x329: {  	[sflag:s25] =	ssyncset.done $0x0  }
0x32a: {  	[sflag:s25] =	ssyncadd.s32 $0xFFFFFC00  }
0x32b: {  	_ =	swait.ge [sflag:s25], $0x400  }
0x32c: {  	[sflag:s25] =	ssyncset.done $0x0  }
0x32d: {  	[sflag:s25] =	ssyncadd.s32 $0xFFFFFC00  }
0x32e: {  	_ =	swait.ge [sflag:s25], $0x400  }
0x32f: {  	[sflag:s25] =	ssyncset.done $0x0  }
0x330: {  	[sflag:s25] =	ssyncadd.s32 $0xFFFFFC00  }
0x331: {  	_ =	swait.ge [sflag:s25], $0x400  }
0x332: {  	[sflag:s25] =	ssyncset.done $0x0  }
0x333: {  	[sflag:s25] =	ssyncadd.s32 $0xFFFFFC00  }
0x334: {  	_ =	swait.ge [sflag:s29], $0x400  }
0x335: {  	[sflag:s29] =	ssyncset.done $0x0  }
0x336: {  	[sflag:s29] =	ssyncadd.s32 $0xFFFFFC00  }
0x337: {  	_ =	swait.ge [sflag:s29], $0x400  }
0x338: {  	[sflag:s29] =	ssyncset.done $0x0  }
0x339: {  	[sflag:s29] =	ssyncadd.s32 $0xFFFFFC00  }
0x33a: {  	_ =	swait.ge [sflag:s29], $0x400  }
0x33b: {  	[sflag:s29] =	ssyncset.done $0x0  }
0x33c: {  	[sflag:s29] =	ssyncadd.s32 $0xFFFFFC00  }
0x33d: {  	_ =	swait.ge [sflag:s29], $0x400  }
0x33e: {  	[sflag:s29] =	ssyncset.done $0x0  }
0x33f: {  	[sflag:s29] =	ssyncadd.s32 $0xFFFFFC00  }
0x340: {  	_ =	swait.ge [sflag:s29], $0x400  }
0x341: {  	[sflag:s29] =	ssyncset.done $0x0  }
0x342: {  	[sflag:s29] =	ssyncadd.s32 $0xFFFFFC00  }
0x343: {  	_ =	swait.ge [sflag:s29], $0x400  }
0x344: {  	[sflag:s29] =	ssyncset.done $0x0  }
0x345: {  	[sflag:s29] =	ssyncadd.s32 $0xFFFFFC00  }
0x346: {  	_ =	swait.ge [sflag:s29], $0x400  }
0x347: {  	[sflag:s29] =	ssyncset.done $0x0  }
0x348: {  	[sflag:s29] =	ssyncadd.s32 $0xFFFFFC00  }
0x349: {  	_ =	swait.ge [sflag:s29], $0x400  }
0x34a: {  	[sflag:s29] =	ssyncset.done $0x0  }
0x34b: {  	[sflag:s29] =	ssyncadd.s32 $0xFFFFFC00  }
0x34c: {  	_ =	swait.ge [sflag:s0], $0x400  }
0x34d: {  	[sflag:s0] =	ssyncset.done $0x0  }
0x34e: {  	[sflag:s0] =	ssyncadd.s32 $0xFFFFFC00  }
0x34f: {  	_ =	swait.ge [sflag:s0], $0x400  }
0x350: {  	[sflag:s0] =	ssyncset.done $0x0  }
0x351: {  	[sflag:s0] =	ssyncadd.s32 $0xFFFFFC00  }
0x352: {  	_ =	swait.ge [sflag:s0], $0x400  }
0x353: {  	[sflag:s0] =	ssyncset.done $0x0  }
0x354: {  	[sflag:s0] =	ssyncadd.s32 $0xFFFFFC00  }
0x355: {  	_ =	swait.ge [sflag:s0], $0x400  }
0x356: {  	[sflag:s0] =	ssyncset.done $0x0  }
0x357: {  	[sflag:s0] =	ssyncadd.s32 $0xFFFFFC00  }
0x358: {  	_ =	swait.ge [sflag:s0], $0x400  }
0x359: {  	[sflag:s0] =	ssyncset.done $0x0  }
0x35a: {  	[sflag:s0] =	ssyncadd.s32 $0xFFFFFC00  }
0x35b: {  	_ =	swait.ge [sflag:s0], $0x400  }
0x35c: {  	[sflag:s0] =	ssyncset.done $0x0  }
0x35d: {  	[sflag:s0] =	ssyncadd.s32 $0xFFFFFC00  }
0x35e: {  	_ =	swait.ge [sflag:s0], $0x400  }
0x35f: {  	[sflag:s0] =	ssyncset.done $0x0  }
0x360: {  	[sflag:s0] =	ssyncadd.s32 $0xFFFFFC00  }
0x361: {  	_ =	swait.ge [sflag:s0], $0x400  }
0x362: {  	s5 =	rddreg [dreg:$0xd]  }
0x363: {  	s21 =	rddreg [dreg:$0x4];
	s5 =	sadd.s32 $0x1, s5  }
0x364: {  	p0 =	sne.s32 s5, s21  }
.Ltmp22:
0x365: {  	_ = 	snop;
	(pc) =	sbr.rel @p0 .LBB2_1-.Ltmp22, $3  }
0x366: {  	_ =	sdelay $0x1  }
0x367: {  	[sflag:s0] =	ssyncset.done $0x0  }
0x368: {  	[sflag:s0] =	ssyncadd.s32 $0xFFFFFC00  }
0x369: {  	_ =	sfence.sel $0x180000  }
0x36a: {  	[bflag:$0x0] =	sbarrier.arrive $0xFFFF  }
0x36b: {  	_ =	strace $0x90000047  }
0x36c: {  	s0 =	stileid.u32;
	[bflag:$0x2] =	sbarrier.arrive $0xFFFF  }
0x36d: {  	p0 =	sne.s32 s0, $0x0;
	s0 =	rddreg [dreg:$0x2]  }
0x36e: {  	s0 =	sadd.s32 @!p0 $0x100000, s0  }
0x36f: {  	[sflag:s0] =	ssyncadd.tile.s32 @!p0 $0x1;
	_ =	shalt  }
.Lfunc_end2:
_tile_overlayer_lowered:
.L_overlay_start_2:
0x370: {  	(tag) =	ssettag $0x2  }
0x371: {  	s0 =	rddreg [dreg:$0x0];
	s2 =	stileid.u32  }
0x372: {  	s1 =	rddreg [dreg:$0x1];
	p0 =	sne.s32 s2, $0x0  }
0x373: {  	s3 =	rddreg [dreg:$0x2];
	[bflag:$0x3] =	sbarrier.arrive $0xFFFF;
	s2 =	simm.s32 @!p0 $0x1C09  }
0x374: {  	[timem:s3], [sflag:s2] =	dma.local @!p0 [hbm:s0], s1  }
0x375: {  	s0 =	simm.s32 @!p0 $0x9  }
0x376: {  	_ =	swait.ge @!p0 [sflag:s0], s1  }
0x377: {  	s1 =	ssub.s32 @!p0 $0x0, s1;
	[sflag:s0] =	ssyncset.done @!p0 $0x0  }
0x378: {  	[sflag:s0] =	ssyncadd.s32 @!p0 s1  }
0x379: {  	[bflag:$0x3] =	sbarrier.arrive $0xFFFF  }
0x37a: {  	_ =	shalt  }

</sc_bundles>
